<compile_context>
chip_gen: v7x
topology: tpu7x:2x2x1
jax: 0.10.2.dev20260603
libtpu: 0.0.44.dev20260713+nightly
codegen_flags: <defaults>
</compile_context>

<pallas_src>
import jax
import jax.numpy as jnp
from jax import lax
from jax.experimental import pallas as pl
from jax.experimental.pallas import tpu as pltpu
from jax.experimental.pallas import tpu_sc as plsc

B = 16384
L = 200
H = 100
N = B * H
V = 1000000

NC = 2
NS = 16
NW = NC * NS
PW = N // NW
CH = 12800
NCH = PW // CH
GL = 128
NG = CH // GL

CS = 65536
HOP = 8192
LAST_OFF = V - CS


def _body(idx_hbm, table_hbm, emb_hbm, idx0, idx1, emb0, emb1, tab_s,
          sem_g, sem_i, sem_e):
    sid = lax.axis_index("s")
    wid = sid * NC + lax.axis_index("c")
    base = wid * PW

    stage_off = jnp.where(sid == 15, LAST_OFF, sid * CS)
    for h in range(0, CS, HOP):
        off = stage_off + h
        pltpu.sync_copy(table_hbm.at[pl.ds(off, HOP)], emb0.at[pl.ds(0, HOP)])
        pltpu.sync_copy(emb0.at[pl.ds(0, HOP)], tab_s.at[pl.ds(off, HOP)])
    plsc.subcore_barrier()

    idxb = (idx0, idx1)
    embb = (emb0, emb1)
    pltpu.async_copy(idx_hbm.at[pl.ds(base, CH)], idx0, sem_i)

    for k in range(NCH):
        b = k % 2
        pltpu.make_async_copy(
            idx_hbm.at[pl.ds(0, CH)], idxb[b], sem_i
        ).wait()
        if k + 1 < NCH:
            pltpu.async_copy(
                idx_hbm.at[pl.ds(base + (k + 1) * CH, CH)], idxb[1 - b], sem_i
            )
        if k >= 2:
            pltpu.make_async_copy(
                embb[b], emb_hbm.at[pl.ds(0, CH)], sem_e
            ).wait()

        def fire(j, c, b=b):
            pltpu.async_copy(
                tab_s.at[idxb[b].at[pl.ds(j * GL, GL)]],
                embb[b].at[pl.ds(j * GL, GL)],
                sem_g,
            )
            return c

        drain = pltpu.make_async_copy(
            tab_s.at[idxb[b].at[pl.ds(0, GL)]],
            embb[b].at[pl.ds(0, GL)],
            sem_g,
        )

        def wait(j, c):
            drain.wait()
            return c

        lax.fori_loop(0, NG, fire, 0)
        lax.fori_loop(0, NG, wait, 0)
        pltpu.async_copy(embb[b], emb_hbm.at[pl.ds(base + k * CH, CH)], sem_e)

    for b in range(2):
        pltpu.make_async_copy(embb[b], emb_hbm.at[pl.ds(0, CH)], sem_e).wait()


def kernel(x, table):
    xt = x.T
    idx = xt[:H].reshape(-1)
    table1 = table.reshape(-1)
    mesh = plsc.VectorSubcoreMesh(core_axis_name="c", subcore_axis_name="s")
    run = pl.kernel(
        _body,
        out_type=jax.ShapeDtypeStruct((N,), jnp.float32),
        mesh=mesh,
        scratch_types=[
            pltpu.VMEM((CH,), jnp.int32),
            pltpu.VMEM((CH,), jnp.int32),
            pltpu.VMEM((CH,), jnp.float32),
            pltpu.VMEM((CH,), jnp.float32),
            pltpu.VMEM_SHARED((V,), jnp.float32),
            pltpu.SemaphoreType.DMA,
            pltpu.SemaphoreType.DMA,
            pltpu.SemaphoreType.DMA,
        ],
    )
    emb = run(idx, table1).reshape(H, B)
    outt = jnp.concatenate([emb, xt[H:].astype(jnp.float32)], axis=0)
    return outt.T

# --- scband reference (transcript-rebuilt; emitter-appended) ---
"""Pipeline reference for scband-embedding-module-37374805410600 (READ-ONLY COPY).

The authoritative reference and input builder live on the scoring server;
editing this copy changes nothing except your own understanding.
"""

import jax, jax.numpy as jnp
import numpy as np

VOCAB = 1000000
EMB = 1
B = 16384
L = 200

def setup_inputs(seed: int = 0) -> dict:
    key = jax.random.key(seed)
    k1, k2 = jax.random.split(key)
    x = jax.random.randint(k1, (B, L), 0, VOCAB, dtype=jnp.int32)
    table = jax.random.normal(k2, (VOCAB, EMB), dtype=jnp.float32) * 0.02
    return {"x": x, "table": table}

def reference(x, table):
    # forward: split x into two halves along dim=1, embed the first half,
    # reshape embeddings back to half_1's shape (valid since emb_size == 1),
    # then concat with the raw integer second half.
    xi = x.astype(jnp.int32)
    half_1, half_2 = jnp.split(xi, 2, axis=1)
    shape = half_1.shape
    half_1_embs = jnp.take(table, half_1, axis=0).reshape(shape)
    h_concated = jnp.concatenate([half_1_embs, half_2.astype(half_1_embs.dtype)], axis=1)
    return h_concated

if __name__ == "__main__":
    import jax
    _d = setup_inputs()
    print(jax.jit(kernel)(*tuple(_d.values())))

</pallas_src>

<mosaic_0001>
#map = affine_map<(d0, d1) -> (0)>
module attributes {stable_mosaic.version = 14 : i64} {
  func.func @_body(%arg0: i32, %arg1: i32, %arg2: memref<1638400xi32, #tpu.memory_space<hbm>>, %arg3: memref<1000000xf32, #tpu.memory_space<hbm>>, %arg4: memref<1638400xf32, #tpu.memory_space<hbm>>, %arg5: memref<12800xi32, #tpu.memory_space<vmem>>, %arg6: memref<12800xi32, #tpu.memory_space<vmem>>, %arg7: memref<12800xf32, #tpu.memory_space<vmem>>, %arg8: memref<12800xf32, #tpu.memory_space<vmem>>, %arg9: memref<1000000xf32, #tpu.memory_space<vmem_shared>>, %arg10: memref<!tpu.dma_semaphore, #tpu.memory_space<semaphore_mem>>, %arg11: memref<!tpu.dma_semaphore, #tpu.memory_space<semaphore_mem>>, %arg12: memref<!tpu.dma_semaphore, #tpu.memory_space<semaphore_mem>>) attributes {dimension_semantics = [#tpu.dimension_semantics<core_parallel>, #tpu.dimension_semantics<subcore_parallel>], iteration_bounds = array<i64: 2, 16>, scalar_prefetch = 0 : i64, scratch_operands = 8 : i64, tpu.core_type = #tpu.core_type<sc_vector_subcore>, window_params = [{transform_indices = #map}, {transform_indices = #map}, {transform_indices = #map}]} {
    %mul3A = arith.constant 2 : i32
    %mul3A_0 = arith.muli %arg1, %mul3A : i32
    %add3A = arith.addi %mul3A_0, %arg0 : i32
    %mul3A_1 = arith.constant 51200 : i32
    %mul3A_2 = arith.muli %add3A, %mul3A_1 : i32
    %eq3A = arith.constant 15 : i32
    %eq3A_3 = arith.cmpi eq, %arg1, %eq3A : i32
    %mul3A_4 = arith.constant 65536 : i32
    %mul3A_5 = arith.muli %arg1, %mul3A_4 : i32
    %jit3A = arith.constant 934464 : i32
    %select_n3A = arith.select %eq3A_3, %jit3A, %mul3A_5 : i32
    %add3A_6 = arith.constant 0 : i32
    %add3A_7 = arith.addi %select_n3A, %add3A_6 : i32
    "tpu.region"() ({
      %run_scoped3A = tpu.sem_alloc : memref<!tpu.dma_semaphore, #tpu.memory_space<semaphore_mem>>
      %dma_start3A_129 = arith.constant 0 : i32
      %dma_start3A_130 = tpu.memref_slice %arg7[%dma_start3A_129] : memref<12800xf32, #tpu.memory_space<vmem>> -> memref<8192xf32, #tpu.memory_space<vmem>>
      %dma_start3A_131 = tpu.memref_slice %arg3[%add3A_7] : memref<1000000xf32, #tpu.memory_space<hbm>> -> memref<8192xf32, #tpu.memory_space<hbm>>
      %dma_start3A_132 = arith.constant 0 : i32
      %dma_start3A_133 = tpu.memref_slice %arg7[%dma_start3A_132] : memref<12800xf32, #tpu.memory_space<vmem>> -> memref<8192xf32, #tpu.memory_space<vmem>>
      %dma_start3A_134 = tpu.memref_slice %arg3[%add3A_7] : memref<1000000xf32, #tpu.memory_space<hbm>> -> memref<8192xf32, #tpu.memory_space<hbm>>
      tpu.enqueue_dma source(%dma_start3A_134 : memref<8192xf32, #tpu.memory_space<hbm>>) target(%dma_start3A_133 : memref<8192xf32, #tpu.memory_space<vmem>>) target_semaphore(%run_scoped3A : memref<!tpu.dma_semaphore, #tpu.memory_space<semaphore_mem>>)
      %dma_wait3A_135 = arith.constant 0 : i32
      %dma_wait3A_136 = tpu.memref_slice %arg7[%dma_wait3A_135] : memref<12800xf32, #tpu.memory_space<vmem>> -> memref<8192xf32, #tpu.memory_space<vmem>>
      %dma_wait3A_137 = tpu.memref_slice %arg3[%add3A_7] : memref<1000000xf32, #tpu.memory_space<hbm>> -> memref<8192xf32, #tpu.memory_space<hbm>>
      %dma_wait3A_138 = arith.constant 0 : i32
      %dma_wait3A_139 = tpu.memref_slice %arg7[%dma_wait3A_138] : memref<12800xf32, #tpu.memory_space<vmem>> -> memref<8192xf32, #tpu.memory_space<vmem>>
      %dma_wait3A_140 = tpu.memref_slice %arg3[%add3A_7] : memref<1000000xf32, #tpu.memory_space<hbm>> -> memref<8192xf32, #tpu.memory_space<hbm>>
      tpu.wait_dma2 semaphore(%run_scoped3A : memref<!tpu.dma_semaphore, #tpu.memory_space<semaphore_mem>>) src(%dma_wait3A_140 : memref<8192xf32, #tpu.memory_space<hbm>>) dst(%dma_wait3A_139 : memref<8192xf32, #tpu.memory_space<vmem>>)
      tpu.yield
    }) : () -> ()
    "tpu.region"() ({
      %run_scoped3A = tpu.sem_alloc : memref<!tpu.dma_semaphore, #tpu.memory_space<semaphore_mem>>
      %dma_start3A_129 = arith.constant 0 : i32
      %dma_start3A_130 = tpu.memref_slice %arg7[%dma_start3A_129] : memref<12800xf32, #tpu.memory_space<vmem>> -> memref<8192xf32, #tpu.memory_space<vmem>>
      %dma_start3A_131 = tpu.memref_slice %arg9[%add3A_7] : memref<1000000xf32, #tpu.memory_space<vmem_shared>> -> memref<8192xf32, #tpu.memory_space<vmem_shared>>
      %dma_start3A_132 = tpu.memref_slice %arg9[%add3A_7] : memref<1000000xf32, #tpu.memory_space<vmem_shared>> -> memref<8192xf32, #tpu.memory_space<vmem_shared>>
      %dma_start3A_133 = arith.constant 0 : i32
      %dma_start3A_134 = tpu.memref_slice %arg7[%dma_start3A_133] : memref<12800xf32, #tpu.memory_space<vmem>> -> memref<8192xf32, #tpu.memory_space<vmem>>
      tpu.enqueue_dma source(%dma_start3A_134 : memref<8192xf32, #tpu.memory_space<vmem>>) target(%dma_start3A_132 : memref<8192xf32, #tpu.memory_space<vmem_shared>>) target_semaphore(%run_scoped3A : memref<!tpu.dma_semaphore, #tpu.memory_space<semaphore_mem>>)
      %dma_wait3A_135 = arith.constant 0 : i32
      %dma_wait3A_136 = tpu.memref_slice %arg7[%dma_wait3A_135] : memref<12800xf32, #tpu.memory_space<vmem>> -> memref<8192xf32, #tpu.memory_space<vmem>>
      %dma_wait3A_137 = tpu.memref_slice %arg9[%add3A_7] : memref<1000000xf32, #tpu.memory_space<vmem_shared>> -> memref<8192xf32, #tpu.memory_space<vmem_shared>>
      %dma_wait3A_138 = tpu.memref_slice %arg9[%add3A_7] : memref<1000000xf32, #tpu.memory_space<vmem_shared>> -> memref<8192xf32, #tpu.memory_space<vmem_shared>>
      %dma_wait3A_139 = arith.constant 0 : i32
      %dma_wait3A_140 = tpu.memref_slice %arg7[%dma_wait3A_139] : memref<12800xf32, #tpu.memory_space<vmem>> -> memref<8192xf32, #tpu.memory_space<vmem>>
      tpu.wait_dma2 semaphore(%run_scoped3A : memref<!tpu.dma_semaphore, #tpu.memory_space<semaphore_mem>>) src(%dma_wait3A_140 : memref<8192xf32, #tpu.memory_space<vmem>>) dst(%dma_wait3A_138 : memref<8192xf32, #tpu.memory_space<vmem_shared>>)
      tpu.yield
    }) : () -> ()
    %add3A_8 = arith.constant 8192 : i32
    %add3A_9 = arith.addi %select_n3A, %add3A_8 : i32
    "tpu.region"() ({
      %run_scoped3A = tpu.sem_alloc : memref<!tpu.dma_semaphore, #tpu.memory_space<semaphore_mem>>
      %dma_start3A_129 = arith.constant 0 : i32
      %dma_start3A_130 = tpu.memref_slice %arg7[%dma_start3A_129] : memref<12800xf32, #tpu.memory_space<vmem>> -> memref<8192xf32, #tpu.memory_space<vmem>>
      %dma_start3A_131 = tpu.memref_slice %arg3[%add3A_9] : memref<1000000xf32, #tpu.memory_space<hbm>> -> memref<8192xf32, #tpu.memory_space<hbm>>
      %dma_start3A_132 = arith.constant 0 : i32
      %dma_start3A_133 = tpu.memref_slice %arg7[%dma_start3A_132] : memref<12800xf32, #tpu.memory_space<vmem>> -> memref<8192xf32, #tpu.memory_space<vmem>>
      %dma_start3A_134 = tpu.memref_slice %arg3[%add3A_9] : memref<1000000xf32, #tpu.memory_space<hbm>> -> memref<8192xf32, #tpu.memory_space<hbm>>
      tpu.enqueue_dma source(%dma_start3A_134 : memref<8192xf32, #tpu.memory_space<hbm>>) target(%dma_start3A_133 : memref<8192xf32, #tpu.memory_space<vmem>>) target_semaphore(%run_scoped3A : memref<!tpu.dma_semaphore, #tpu.memory_space<semaphore_mem>>)
      %dma_wait3A_135 = arith.constant 0 : i32
      %dma_wait3A_136 = tpu.memref_slice %arg7[%dma_wait3A_135] : memref<12800xf32, #tpu.memory_space<vmem>> -> memref<8192xf32, #tpu.memory_space<vmem>>
      %dma_wait3A_137 = tpu.memref_slice %arg3[%add3A_9] : memref<1000000xf32, #tpu.memory_space<hbm>> -> memref<8192xf32, #tpu.memory_space<hbm>>
      %dma_wait3A_138 = arith.constant 0 : i32
      %dma_wait3A_139 = tpu.memref_slice %arg7[%dma_wait3A_138] : memref<12800xf32, #tpu.memory_space<vmem>> -> memref<8192xf32, #tpu.memory_space<vmem>>
      %dma_wait3A_140 = tpu.memref_slice %arg3[%add3A_9] : memref<1000000xf32, #tpu.memory_space<hbm>> -> memref<8192xf32, #tpu.memory_space<hbm>>
      tpu.wait_dma2 semaphore(%run_scoped3A : memref<!tpu.dma_semaphore, #tpu.memory_space<semaphore_mem>>) src(%dma_wait3A_140 : memref<8192xf32, #tpu.memory_space<hbm>>) dst(%dma_wait3A_139 : memref<8192xf32, #tpu.memory_space<vmem>>)
      tpu.yield
    }) : () -> ()
    "tpu.region"() ({
      %run_scoped3A = tpu.sem_alloc : memref<!tpu.dma_semaphore, #tpu.memory_space<semaphore_mem>>
      %dma_start3A_129 = arith.constant 0 : i32
      %dma_start3A_130 = tpu.memref_slice %arg7[%dma_start3A_129] : memref<12800xf32, #tpu.memory_space<vmem>> -> memref<8192xf32, #tpu.memory_space<vmem>>
      %dma_start3A_131 = tpu.memref_slice %arg9[%add3A_9] : memref<1000000xf32, #tpu.memory_space<vmem_shared>> -> memref<8192xf32, #tpu.memory_space<vmem_shared>>
      %dma_start3A_132 = tpu.memref_slice %arg9[%add3A_9] : memref<1000000xf32, #tpu.memory_space<vmem_shared>> -> memref<8192xf32, #tpu.memory_space<vmem_shared>>
      %dma_start3A_133 = arith.constant 0 : i32
      %dma_start3A_134 = tpu.memref_slice %arg7[%dma_start3A_133] : memref<12800xf32, #tpu.memory_space<vmem>> -> memref<8192xf32, #tpu.memory_space<vmem>>
      tpu.enqueue_dma source(%dma_start3A_134 : memref<8192xf32, #tpu.memory_space<vmem>>) target(%dma_start3A_132 : memref<8192xf32, #tpu.memory_space<vmem_shared>>) target_semaphore(%run_scoped3A : memref<!tpu.dma_semaphore, #tpu.memory_space<semaphore_mem>>)
      %dma_wait3A_135 = arith.constant 0 : i32
      %dma_wait3A_136 = tpu.memref_slice %arg7[%dma_wait3A_135] : memref<12800xf32, #tpu.memory_space<vmem>> -> memref<8192xf32, #tpu.memory_space<vmem>>
      %dma_wait3A_137 = tpu.memref_slice %arg9[%add3A_9] : memref<1000000xf32, #tpu.memory_space<vmem_shared>> -> memref<8192xf32, #tpu.memory_space<vmem_shared>>
      %dma_wait3A_138 = tpu.memref_slice %arg9[%add3A_9] : memref<1000000xf32, #tpu.memory_space<vmem_shared>> -> memref<8192xf32, #tpu.memory_space<vmem_shared>>
      %dma_wait3A_139 = arith.constant 0 : i32
      %dma_wait3A_140 = tpu.memref_slice %arg7[%dma_wait3A_139] : memref<12800xf32, #tpu.memory_space<vmem>> -> memref<8192xf32, #tpu.memory_space<vmem>>
      tpu.wait_dma2 semaphore(%run_scoped3A : memref<!tpu.dma_semaphore, #tpu.memory_space<semaphore_mem>>) src(%dma_wait3A_140 : memref<8192xf32, #tpu.memory_space<vmem>>) dst(%dma_wait3A_138 : memref<8192xf32, #tpu.memory_space<vmem_shared>>)
      tpu.yield
    }) : () -> ()
    %add3A_10 = arith.constant 16384 : i32
    %add3A_11 = arith.addi %select_n3A, %add3A_10 : i32
    "tpu.region"() ({
      %run_scoped3A = tpu.sem_alloc : memref<!tpu.dma_semaphore, #tpu.memory_space<semaphore_mem>>
      %dma_start3A_129 = arith.constant 0 : i32
      %dma_start3A_130 = tpu.memref_slice %arg7[%dma_start3A_129] : memref<12800xf32, #tpu.memory_space<vmem>> -> memref<8192xf32, #tpu.memory_space<vmem>>
      %dma_start3A_131 = tpu.memref_slice %arg3[%add3A_11] : memref<1000000xf32, #tpu.memory_space<hbm>> -> memref<8192xf32, #tpu.memory_space<hbm>>
      %dma_start3A_132 = arith.constant 0 : i32
      %dma_start3A_133 = tpu.memref_slice %arg7[%dma_start3A_132] : memref<12800xf32, #tpu.memory_space<vmem>> -> memref<8192xf32, #tpu.memory_space<vmem>>
      %dma_start3A_134 = tpu.memref_slice %arg3[%add3A_11] : memref<1000000xf32, #tpu.memory_space<hbm>> -> memref<8192xf32, #tpu.memory_space<hbm>>
      tpu.enqueue_dma source(%dma_start3A_134 : memref<8192xf32, #tpu.memory_space<hbm>>) target(%dma_start3A_133 : memref<8192xf32, #tpu.memory_space<vmem>>) target_semaphore(%run_scoped3A : memref<!tpu.dma_semaphore, #tpu.memory_space<semaphore_mem>>)
      %dma_wait3A_135 = arith.constant 0 : i32
      %dma_wait3A_136 = tpu.memref_slice %arg7[%dma_wait3A_135] : memref<12800xf32, #tpu.memory_space<vmem>> -> memref<8192xf32, #tpu.memory_space<vmem>>
      %dma_wait3A_137 = tpu.memref_slice %arg3[%add3A_11] : memref<1000000xf32, #tpu.memory_space<hbm>> -> memref<8192xf32, #tpu.memory_space<hbm>>
      %dma_wait3A_138 = arith.constant 0 : i32
      %dma_wait3A_139 = tpu.memref_slice %arg7[%dma_wait3A_138] : memref<12800xf32, #tpu.memory_space<vmem>> -> memref<8192xf32, #tpu.memory_space<vmem>>
      %dma_wait3A_140 = tpu.memref_slice %arg3[%add3A_11] : memref<1000000xf32, #tpu.memory_space<hbm>> -> memref<8192xf32, #tpu.memory_space<hbm>>
      tpu.wait_dma2 semaphore(%run_scoped3A : memref<!tpu.dma_semaphore, #tpu.memory_space<semaphore_mem>>) src(%dma_wait3A_140 : memref<8192xf32, #tpu.memory_space<hbm>>) dst(%dma_wait3A_139 : memref<8192xf32, #tpu.memory_space<vmem>>)
      tpu.yield
    }) : () -> ()
    "tpu.region"() ({
      %run_scoped3A = tpu.sem_alloc : memref<!tpu.dma_semaphore, #tpu.memory_space<semaphore_mem>>
      %dma_start3A_129 = arith.constant 0 : i32
      %dma_start3A_130 = tpu.memref_slice %arg7[%dma_start3A_129] : memref<12800xf32, #tpu.memory_space<vmem>> -> memref<8192xf32, #tpu.memory_space<vmem>>
      %dma_start3A_131 = tpu.memref_slice %arg9[%add3A_11] : memref<1000000xf32, #tpu.memory_space<vmem_shared>> -> memref<8192xf32, #tpu.memory_space<vmem_shared>>
      %dma_start3A_132 = tpu.memref_slice %arg9[%add3A_11] : memref<1000000xf32, #tpu.memory_space<vmem_shared>> -> memref<8192xf32, #tpu.memory_space<vmem_shared>>
      %dma_start3A_133 = arith.constant 0 : i32
      %dma_start3A_134 = tpu.memref_slice %arg7[%dma_start3A_133] : memref<12800xf32, #tpu.memory_space<vmem>> -> memref<8192xf32, #tpu.memory_space<vmem>>
      tpu.enqueue_dma source(%dma_start3A_134 : memref<8192xf32, #tpu.memory_space<vmem>>) target(%dma_start3A_132 : memref<8192xf32, #tpu.memory_space<vmem_shared>>) target_semaphore(%run_scoped3A : memref<!tpu.dma_semaphore, #tpu.memory_space<semaphore_mem>>)
      %dma_wait3A_135 = arith.constant 0 : i32
      %dma_wait3A_136 = tpu.memref_slice %arg7[%dma_wait3A_135] : memref<12800xf32, #tpu.memory_space<vmem>> -> memref<8192xf32, #tpu.memory_space<vmem>>
      %dma_wait3A_137 = tpu.memref_slice %arg9[%add3A_11] : memref<1000000xf32, #tpu.memory_space<vmem_shared>> -> memref<8192xf32, #tpu.memory_space<vmem_shared>>
      %dma_wait3A_138 = tpu.memref_slice %arg9[%add3A_11] : memref<1000000xf32, #tpu.memory_space<vmem_shared>> -> memref<8192xf32, #tpu.memory_space<vmem_shared>>
      %dma_wait3A_139 = arith.constant 0 : i32
      %dma_wait3A_140 = tpu.memref_slice %arg7[%dma_wait3A_139] : memref<12800xf32, #tpu.memory_space<vmem>> -> memref<8192xf32, #tpu.memory_space<vmem>>
      tpu.wait_dma2 semaphore(%run_scoped3A : memref<!tpu.dma_semaphore, #tpu.memory_space<semaphore_mem>>) src(%dma_wait3A_140 : memref<8192xf32, #tpu.memory_space<vmem>>) dst(%dma_wait3A_138 : memref<8192xf32, #tpu.memory_space<vmem_shared>>)
      tpu.yield
    }) : () -> ()
    %add3A_12 = arith.constant 24576 : i32
    %add3A_13 = arith.addi %select_n3A, %add3A_12 : i32
    "tpu.region"() ({
      %run_scoped3A = tpu.sem_alloc : memref<!tpu.dma_semaphore, #tpu.memory_space<semaphore_mem>>
      %dma_start3A_129 = arith.constant 0 : i32
      %dma_start3A_130 = tpu.memref_slice %arg7[%dma_start3A_129] : memref<12800xf32, #tpu.memory_space<vmem>> -> memref<8192xf32, #tpu.memory_space<vmem>>
      %dma_start3A_131 = tpu.memref_slice %arg3[%add3A_13] : memref<1000000xf32, #tpu.memory_space<hbm>> -> memref<8192xf32, #tpu.memory_space<hbm>>
      %dma_start3A_132 = arith.constant 0 : i32
      %dma_start3A_133 = tpu.memref_slice %arg7[%dma_start3A_132] : memref<12800xf32, #tpu.memory_space<vmem>> -> memref<8192xf32, #tpu.memory_space<vmem>>
      %dma_start3A_134 = tpu.memref_slice %arg3[%add3A_13] : memref<1000000xf32, #tpu.memory_space<hbm>> -> memref<8192xf32, #tpu.memory_space<hbm>>
      tpu.enqueue_dma source(%dma_start3A_134 : memref<8192xf32, #tpu.memory_space<hbm>>) target(%dma_start3A_133 : memref<8192xf32, #tpu.memory_space<vmem>>) target_semaphore(%run_scoped3A : memref<!tpu.dma_semaphore, #tpu.memory_space<semaphore_mem>>)
      %dma_wait3A_135 = arith.constant 0 : i32
      %dma_wait3A_136 = tpu.memref_slice %arg7[%dma_wait3A_135] : memref<12800xf32, #tpu.memory_space<vmem>> -> memref<8192xf32, #tpu.memory_space<vmem>>
      %dma_wait3A_137 = tpu.memref_slice %arg3[%add3A_13] : memref<1000000xf32, #tpu.memory_space<hbm>> -> memref<8192xf32, #tpu.memory_space<hbm>>
      %dma_wait3A_138 = arith.constant 0 : i32
      %dma_wait3A_139 = tpu.memref_slice %arg7[%dma_wait3A_138] : memref<12800xf32, #tpu.memory_space<vmem>> -> memref<8192xf32, #tpu.memory_space<vmem>>
      %dma_wait3A_140 = tpu.memref_slice %arg3[%add3A_13] : memref<1000000xf32, #tpu.memory_space<hbm>> -> memref<8192xf32, #tpu.memory_space<hbm>>
      tpu.wait_dma2 semaphore(%run_scoped3A : memref<!tpu.dma_semaphore, #tpu.memory_space<semaphore_mem>>) src(%dma_wait3A_140 : memref<8192xf32, #tpu.memory_space<hbm>>) dst(%dma_wait3A_139 : memref<8192xf32, #tpu.memory_space<vmem>>)
      tpu.yield
    }) : () -> ()
    "tpu.region"() ({
      %run_scoped3A = tpu.sem_alloc : memref<!tpu.dma_semaphore, #tpu.memory_space<semaphore_mem>>
      %dma_start3A_129 = arith.constant 0 : i32
      %dma_start3A_130 = tpu.memref_slice %arg7[%dma_start3A_129] : memref<12800xf32, #tpu.memory_space<vmem>> -> memref<8192xf32, #tpu.memory_space<vmem>>
      %dma_start3A_131 = tpu.memref_slice %arg9[%add3A_13] : memref<1000000xf32, #tpu.memory_space<vmem_shared>> -> memref<8192xf32, #tpu.memory_space<vmem_shared>>
      %dma_start3A_132 = tpu.memref_slice %arg9[%add3A_13] : memref<1000000xf32, #tpu.memory_space<vmem_shared>> -> memref<8192xf32, #tpu.memory_space<vmem_shared>>
      %dma_start3A_133 = arith.constant 0 : i32
      %dma_start3A_134 = tpu.memref_slice %arg7[%dma_start3A_133] : memref<12800xf32, #tpu.memory_space<vmem>> -> memref<8192xf32, #tpu.memory_space<vmem>>
      tpu.enqueue_dma source(%dma_start3A_134 : memref<8192xf32, #tpu.memory_space<vmem>>) target(%dma_start3A_132 : memref<8192xf32, #tpu.memory_space<vmem_shared>>) target_semaphore(%run_scoped3A : memref<!tpu.dma_semaphore, #tpu.memory_space<semaphore_mem>>)
      %dma_wait3A_135 = arith.constant 0 : i32
      %dma_wait3A_136 = tpu.memref_slice %arg7[%dma_wait3A_135] : memref<12800xf32, #tpu.memory_space<vmem>> -> memref<8192xf32, #tpu.memory_space<vmem>>
      %dma_wait3A_137 = tpu.memref_slice %arg9[%add3A_13] : memref<1000000xf32, #tpu.memory_space<vmem_shared>> -> memref<8192xf32, #tpu.memory_space<vmem_shared>>
      %dma_wait3A_138 = tpu.memref_slice %arg9[%add3A_13] : memref<1000000xf32, #tpu.memory_space<vmem_shared>> -> memref<8192xf32, #tpu.memory_space<vmem_shared>>
      %dma_wait3A_139 = arith.constant 0 : i32
      %dma_wait3A_140 = tpu.memref_slice %arg7[%dma_wait3A_139] : memref<12800xf32, #tpu.memory_space<vmem>> -> memref<8192xf32, #tpu.memory_space<vmem>>
      tpu.wait_dma2 semaphore(%run_scoped3A : memref<!tpu.dma_semaphore, #tpu.memory_space<semaphore_mem>>) src(%dma_wait3A_140 : memref<8192xf32, #tpu.memory_space<vmem>>) dst(%dma_wait3A_138 : memref<8192xf32, #tpu.memory_space<vmem_shared>>)
      tpu.yield
    }) : () -> ()
    %add3A_14 = arith.constant 32768 : i32
    %add3A_15 = arith.addi %select_n3A, %add3A_14 : i32
    "tpu.region"() ({
      %run_scoped3A = tpu.sem_alloc : memref<!tpu.dma_semaphore, #tpu.memory_space<semaphore_mem>>
      %dma_start3A_129 = arith.constant 0 : i32
      %dma_start3A_130 = tpu.memref_slice %arg7[%dma_start3A_129] : memref<12800xf32, #tpu.memory_space<vmem>> -> memref<8192xf32, #tpu.memory_space<vmem>>
      %dma_start3A_131 = tpu.memref_slice %arg3[%add3A_15] : memref<1000000xf32, #tpu.memory_space<hbm>> -> memref<8192xf32, #tpu.memory_space<hbm>>
      %dma_start3A_132 = arith.constant 0 : i32
      %dma_start3A_133 = tpu.memref_slice %arg7[%dma_start3A_132] : memref<12800xf32, #tpu.memory_space<vmem>> -> memref<8192xf32, #tpu.memory_space<vmem>>
      %dma_start3A_134 = tpu.memref_slice %arg3[%add3A_15] : memref<1000000xf32, #tpu.memory_space<hbm>> -> memref<8192xf32, #tpu.memory_space<hbm>>
      tpu.enqueue_dma source(%dma_start3A_134 : memref<8192xf32, #tpu.memory_space<hbm>>) target(%dma_start3A_133 : memref<8192xf32, #tpu.memory_space<vmem>>) target_semaphore(%run_scoped3A : memref<!tpu.dma_semaphore, #tpu.memory_space<semaphore_mem>>)
      %dma_wait3A_135 = arith.constant 0 : i32
      %dma_wait3A_136 = tpu.memref_slice %arg7[%dma_wait3A_135] : memref<12800xf32, #tpu.memory_space<vmem>> -> memref<8192xf32, #tpu.memory_space<vmem>>
      %dma_wait3A_137 = tpu.memref_slice %arg3[%add3A_15] : memref<1000000xf32, #tpu.memory_space<hbm>> -> memref<8192xf32, #tpu.memory_space<hbm>>
      %dma_wait3A_138 = arith.constant 0 : i32
      %dma_wait3A_139 = tpu.memref_slice %arg7[%dma_wait3A_138] : memref<12800xf32, #tpu.memory_space<vmem>> -> memref<8192xf32, #tpu.memory_space<vmem>>
      %dma_wait3A_140 = tpu.memref_slice %arg3[%add3A_15] : memref<1000000xf32, #tpu.memory_space<hbm>> -> memref<8192xf32, #tpu.memory_space<hbm>>
      tpu.wait_dma2 semaphore(%run_scoped3A : memref<!tpu.dma_semaphore, #tpu.memory_space<semaphore_mem>>) src(%dma_wait3A_140 : memref<8192xf32, #tpu.memory_space<hbm>>) dst(%dma_wait3A_139 : memref<8192xf32, #tpu.memory_space<vmem>>)
      tpu.yield
    }) : () -> ()
    "tpu.region"() ({
      %run_scoped3A = tpu.sem_alloc : memref<!tpu.dma_semaphore, #tpu.memory_space<semaphore_mem>>
      %dma_start3A_129 = arith.constant 0 : i32
      %dma_start3A_130 = tpu.memref_slice %arg7[%dma_start3A_129] : memref<12800xf32, #tpu.memory_space<vmem>> -> memref<8192xf32, #tpu.memory_space<vmem>>
      %dma_start3A_131 = tpu.memref_slice %arg9[%add3A_15] : memref<1000000xf32, #tpu.memory_space<vmem_shared>> -> memref<8192xf32, #tpu.memory_space<vmem_shared>>
      %dma_start3A_132 = tpu.memref_slice %arg9[%add3A_15] : memref<1000000xf32, #tpu.memory_space<vmem_shared>> -> memref<8192xf32, #tpu.memory_space<vmem_shared>>
      %dma_start3A_133 = arith.constant 0 : i32
      %dma_start3A_134 = tpu.memref_slice %arg7[%dma_start3A_133] : memref<12800xf32, #tpu.memory_space<vmem>> -> memref<8192xf32, #tpu.memory_space<vmem>>
      tpu.enqueue_dma source(%dma_start3A_134 : memref<8192xf32, #tpu.memory_space<vmem>>) target(%dma_start3A_132 : memref<8192xf32, #tpu.memory_space<vmem_shared>>) target_semaphore(%run_scoped3A : memref<!tpu.dma_semaphore, #tpu.memory_space<semaphore_mem>>)
      %dma_wait3A_135 = arith.constant 0 : i32
      %dma_wait3A_136 = tpu.memref_slice %arg7[%dma_wait3A_135] : memref<12800xf32, #tpu.memory_space<vmem>> -> memref<8192xf32, #tpu.memory_space<vmem>>
      %dma_wait3A_137 = tpu.memref_slice %arg9[%add3A_15] : memref<1000000xf32, #tpu.memory_space<vmem_shared>> -> memref<8192xf32, #tpu.memory_space<vmem_shared>>
      %dma_wait3A_138 = tpu.memref_slice %arg9[%add3A_15] : memref<1000000xf32, #tpu.memory_space<vmem_shared>> -> memref<8192xf32, #tpu.memory_space<vmem_shared>>
      %dma_wait3A_139 = arith.constant 0 : i32
      %dma_wait3A_140 = tpu.memref_slice %arg7[%dma_wait3A_139] : memref<12800xf32, #tpu.memory_space<vmem>> -> memref<8192xf32, #tpu.memory_space<vmem>>
      tpu.wait_dma2 semaphore(%run_scoped3A : memref<!tpu.dma_semaphore, #tpu.memory_space<semaphore_mem>>) src(%dma_wait3A_140 : memref<8192xf32, #tpu.memory_space<vmem>>) dst(%dma_wait3A_138 : memref<8192xf32, #tpu.memory_space<vmem_shared>>)
      tpu.yield
    }) : () -> ()
    %add3A_16 = arith.constant 40960 : i32
    %add3A_17 = arith.addi %select_n3A, %add3A_16 : i32
    "tpu.region"() ({
      %run_scoped3A = tpu.sem_alloc : memref<!tpu.dma_semaphore, #tpu.memory_space<semaphore_mem>>
      %dma_start3A_129 = arith.constant 0 : i32
      %dma_start3A_130 = tpu.memref_slice %arg7[%dma_start3A_129] : memref<12800xf32, #tpu.memory_space<vmem>> -> memref<8192xf32, #tpu.memory_space<vmem>>
      %dma_start3A_131 = tpu.memref_slice %arg3[%add3A_17] : memref<1000000xf32, #tpu.memory_space<hbm>> -> memref<8192xf32, #tpu.memory_space<hbm>>
      %dma_start3A_132 = arith.constant 0 : i32
      %dma_start3A_133 = tpu.memref_slice %arg7[%dma_start3A_132] : memref<12800xf32, #tpu.memory_space<vmem>> -> memref<8192xf32, #tpu.memory_space<vmem>>
      %dma_start3A_134 = tpu.memref_slice %arg3[%add3A_17] : memref<1000000xf32, #tpu.memory_space<hbm>> -> memref<8192xf32, #tpu.memory_space<hbm>>
      tpu.enqueue_dma source(%dma_start3A_134 : memref<8192xf32, #tpu.memory_space<hbm>>) target(%dma_start3A_133 : memref<8192xf32, #tpu.memory_space<vmem>>) target_semaphore(%run_scoped3A : memref<!tpu.dma_semaphore, #tpu.memory_space<semaphore_mem>>)
      %dma_wait3A_135 = arith.constant 0 : i32
      %dma_wait3A_136 = tpu.memref_slice %arg7[%dma_wait3A_135] : memref<12800xf32, #tpu.memory_space<vmem>> -> memref<8192xf32, #tpu.memory_space<vmem>>
      %dma_wait3A_137 = tpu.memref_slice %arg3[%add3A_17] : memref<1000000xf32, #tpu.memory_space<hbm>> -> memref<8192xf32, #tpu.memory_space<hbm>>
      %dma_wait3A_138 = arith.constant 0 : i32
      %dma_wait3A_139 = tpu.memref_slice %arg7[%dma_wait3A_138] : memref<12800xf32, #tpu.memory_space<vmem>> -> memref<8192xf32, #tpu.memory_space<vmem>>
      %dma_wait3A_140 = tpu.memref_slice %arg3[%add3A_17] : memref<1000000xf32, #tpu.memory_space<hbm>> -> memref<8192xf32, #tpu.memory_space<hbm>>
      tpu.wait_dma2 semaphore(%run_scoped3A : memref<!tpu.dma_semaphore, #tpu.memory_space<semaphore_mem>>) src(%dma_wait3A_140 : memref<8192xf32, #tpu.memory_space<hbm>>) dst(%dma_wait3A_139 : memref<8192xf32, #tpu.memory_space<vmem>>)
      tpu.yield
    }) : () -> ()
    "tpu.region"() ({
      %run_scoped3A = tpu.sem_alloc : memref<!tpu.dma_semaphore, #tpu.memory_space<semaphore_mem>>
      %dma_start3A_129 = arith.constant 0 : i32
      %dma_start3A_130 = tpu.memref_slice %arg7[%dma_start3A_129] : memref<12800xf32, #tpu.memory_space<vmem>> -> memref<8192xf32, #tpu.memory_space<vmem>>
      %dma_start3A_131 = tpu.memref_slice %arg9[%add3A_17] : memref<1000000xf32, #tpu.memory_space<vmem_shared>> -> memref<8192xf32, #tpu.memory_space<vmem_shared>>
      %dma_start3A_132 = tpu.memref_slice %arg9[%add3A_17] : memref<1000000xf32, #tpu.memory_space<vmem_shared>> -> memref<8192xf32, #tpu.memory_space<vmem_shared>>
      %dma_start3A_133 = arith.constant 0 : i32
      %dma_start3A_134 = tpu.memref_slice %arg7[%dma_start3A_133] : memref<12800xf32, #tpu.memory_space<vmem>> -> memref<8192xf32, #tpu.memory_space<vmem>>
      tpu.enqueue_dma source(%dma_start3A_134 : memref<8192xf32, #tpu.memory_space<vmem>>) target(%dma_start3A_132 : memref<8192xf32, #tpu.memory_space<vmem_shared>>) target_semaphore(%run_scoped3A : memref<!tpu.dma_semaphore, #tpu.memory_space<semaphore_mem>>)
      %dma_wait3A_135 = arith.constant 0 : i32
      %dma_wait3A_136 = tpu.memref_slice %arg7[%dma_wait3A_135] : memref<12800xf32, #tpu.memory_space<vmem>> -> memref<8192xf32, #tpu.memory_space<vmem>>
      %dma_wait3A_137 = tpu.memref_slice %arg9[%add3A_17] : memref<1000000xf32, #tpu.memory_space<vmem_shared>> -> memref<8192xf32, #tpu.memory_space<vmem_shared>>
      %dma_wait3A_138 = tpu.memref_slice %arg9[%add3A_17] : memref<1000000xf32, #tpu.memory_space<vmem_shared>> -> memref<8192xf32, #tpu.memory_space<vmem_shared>>
      %dma_wait3A_139 = arith.constant 0 : i32
      %dma_wait3A_140 = tpu.memref_slice %arg7[%dma_wait3A_139] : memref<12800xf32, #tpu.memory_space<vmem>> -> memref<8192xf32, #tpu.memory_space<vmem>>
      tpu.wait_dma2 semaphore(%run_scoped3A : memref<!tpu.dma_semaphore, #tpu.memory_space<semaphore_mem>>) src(%dma_wait3A_140 : memref<8192xf32, #tpu.memory_space<vmem>>) dst(%dma_wait3A_138 : memref<8192xf32, #tpu.memory_space<vmem_shared>>)
      tpu.yield
    }) : () -> ()
    %add3A_18 = arith.constant 49152 : i32
    %add3A_19 = arith.addi %select_n3A, %add3A_18 : i32
    "tpu.region"() ({
      %run_scoped3A = tpu.sem_alloc : memref<!tpu.dma_semaphore, #tpu.memory_space<semaphore_mem>>
      %dma_start3A_129 = arith.constant 0 : i32
      %dma_start3A_130 = tpu.memref_slice %arg7[%dma_start3A_129] : memref<12800xf32, #tpu.memory_space<vmem>> -> memref<8192xf32, #tpu.memory_space<vmem>>
      %dma_start3A_131 = tpu.memref_slice %arg3[%add3A_19] : memref<1000000xf32, #tpu.memory_space<hbm>> -> memref<8192xf32, #tpu.memory_space<hbm>>
      %dma_start3A_132 = arith.constant 0 : i32
      %dma_start3A_133 = tpu.memref_slice %arg7[%dma_start3A_132] : memref<12800xf32, #tpu.memory_space<vmem>> -> memref<8192xf32, #tpu.memory_space<vmem>>
      %dma_start3A_134 = tpu.memref_slice %arg3[%add3A_19] : memref<1000000xf32, #tpu.memory_space<hbm>> -> memref<8192xf32, #tpu.memory_space<hbm>>
      tpu.enqueue_dma source(%dma_start3A_134 : memref<8192xf32, #tpu.memory_space<hbm>>) target(%dma_start3A_133 : memref<8192xf32, #tpu.memory_space<vmem>>) target_semaphore(%run_scoped3A : memref<!tpu.dma_semaphore, #tpu.memory_space<semaphore_mem>>)
      %dma_wait3A_135 = arith.constant 0 : i32
      %dma_wait3A_136 = tpu.memref_slice %arg7[%dma_wait3A_135] : memref<12800xf32, #tpu.memory_space<vmem>> -> memref<8192xf32, #tpu.memory_space<vmem>>
      %dma_wait3A_137 = tpu.memref_slice %arg3[%add3A_19] : memref<1000000xf32, #tpu.memory_space<hbm>> -> memref<8192xf32, #tpu.memory_space<hbm>>
      %dma_wait3A_138 = arith.constant 0 : i32
      %dma_wait3A_139 = tpu.memref_slice %arg7[%dma_wait3A_138] : memref<12800xf32, #tpu.memory_space<vmem>> -> memref<8192xf32, #tpu.memory_space<vmem>>
      %dma_wait3A_140 = tpu.memref_slice %arg3[%add3A_19] : memref<1000000xf32, #tpu.memory_space<hbm>> -> memref<8192xf32, #tpu.memory_space<hbm>>
      tpu.wait_dma2 semaphore(%run_scoped3A : memref<!tpu.dma_semaphore, #tpu.memory_space<semaphore_mem>>) src(%dma_wait3A_140 : memref<8192xf32, #tpu.memory_space<hbm>>) dst(%dma_wait3A_139 : memref<8192xf32, #tpu.memory_space<vmem>>)
      tpu.yield
    }) : () -> ()
    "tpu.region"() ({
      %run_scoped3A = tpu.sem_alloc : memref<!tpu.dma_semaphore, #tpu.memory_space<semaphore_mem>>
      %dma_start3A_129 = arith.constant 0 : i32
      %dma_start3A_130 = tpu.memref_slice %arg7[%dma_start3A_129] : memref<12800xf32, #tpu.memory_space<vmem>> -> memref<8192xf32, #tpu.memory_space<vmem>>
      %dma_start3A_131 = tpu.memref_slice %arg9[%add3A_19] : memref<1000000xf32, #tpu.memory_space<vmem_shared>> -> memref<8192xf32, #tpu.memory_space<vmem_shared>>
      %dma_start3A_132 = tpu.memref_slice %arg9[%add3A_19] : memref<1000000xf32, #tpu.memory_space<vmem_shared>> -> memref<8192xf32, #tpu.memory_space<vmem_shared>>
      %dma_start3A_133 = arith.constant 0 : i32
      %dma_start3A_134 = tpu.memref_slice %arg7[%dma_start3A_133] : memref<12800xf32, #tpu.memory_space<vmem>> -> memref<8192xf32, #tpu.memory_space<vmem>>
      tpu.enqueue_dma source(%dma_start3A_134 : memref<8192xf32, #tpu.memory_space<vmem>>) target(%dma_start3A_132 : memref<8192xf32, #tpu.memory_space<vmem_shared>>) target_semaphore(%run_scoped3A : memref<!tpu.dma_semaphore, #tpu.memory_space<semaphore_mem>>)
      %dma_wait3A_135 = arith.constant 0 : i32
      %dma_wait3A_136 = tpu.memref_slice %arg7[%dma_wait3A_135] : memref<12800xf32, #tpu.memory_space<vmem>> -> memref<8192xf32, #tpu.memory_space<vmem>>
      %dma_wait3A_137 = tpu.memref_slice %arg9[%add3A_19] : memref<1000000xf32, #tpu.memory_space<vmem_shared>> -> memref<8192xf32, #tpu.memory_space<vmem_shared>>
      %dma_wait3A_138 = tpu.memref_slice %arg9[%add3A_19] : memref<1000000xf32, #tpu.memory_space<vmem_shared>> -> memref<8192xf32, #tpu.memory_space<vmem_shared>>
      %dma_wait3A_139 = arith.constant 0 : i32
      %dma_wait3A_140 = tpu.memref_slice %arg7[%dma_wait3A_139] : memref<12800xf32, #tpu.memory_space<vmem>> -> memref<8192xf32, #tpu.memory_space<vmem>>
      tpu.wait_dma2 semaphore(%run_scoped3A : memref<!tpu.dma_semaphore, #tpu.memory_space<semaphore_mem>>) src(%dma_wait3A_140 : memref<8192xf32, #tpu.memory_space<vmem>>) dst(%dma_wait3A_138 : memref<8192xf32, #tpu.memory_space<vmem_shared>>)
      tpu.yield
    }) : () -> ()
    %add3A_20 = arith.constant 57344 : i32
    %add3A_21 = arith.addi %select_n3A, %add3A_20 : i32
    "tpu.region"() ({
      %run_scoped3A = tpu.sem_alloc : memref<!tpu.dma_semaphore, #tpu.memory_space<semaphore_mem>>
      %dma_start3A_129 = arith.constant 0 : i32
      %dma_start3A_130 = tpu.memref_slice %arg7[%dma_start3A_129] : memref<12800xf32, #tpu.memory_space<vmem>> -> memref<8192xf32, #tpu.memory_space<vmem>>
      %dma_start3A_131 = tpu.memref_slice %arg3[%add3A_21] : memref<1000000xf32, #tpu.memory_space<hbm>> -> memref<8192xf32, #tpu.memory_space<hbm>>
      %dma_start3A_132 = arith.constant 0 : i32
      %dma_start3A_133 = tpu.memref_slice %arg7[%dma_start3A_132] : memref<12800xf32, #tpu.memory_space<vmem>> -> memref<8192xf32, #tpu.memory_space<vmem>>
      %dma_start3A_134 = tpu.memref_slice %arg3[%add3A_21] : memref<1000000xf32, #tpu.memory_space<hbm>> -> memref<8192xf32, #tpu.memory_space<hbm>>
      tpu.enqueue_dma source(%dma_start3A_134 : memref<8192xf32, #tpu.memory_space<hbm>>) target(%dma_start3A_133 : memref<8192xf32, #tpu.memory_space<vmem>>) target_semaphore(%run_scoped3A : memref<!tpu.dma_semaphore, #tpu.memory_space<semaphore_mem>>)
      %dma_wait3A_135 = arith.constant 0 : i32
      %dma_wait3A_136 = tpu.memref_slice %arg7[%dma_wait3A_135] : memref<12800xf32, #tpu.memory_space<vmem>> -> memref<8192xf32, #tpu.memory_space<vmem>>
      %dma_wait3A_137 = tpu.memref_slice %arg3[%add3A_21] : memref<1000000xf32, #tpu.memory_space<hbm>> -> memref<8192xf32, #tpu.memory_space<hbm>>
      %dma_wait3A_138 = arith.constant 0 : i32
      %dma_wait3A_139 = tpu.memref_slice %arg7[%dma_wait3A_138] : memref<12800xf32, #tpu.memory_space<vmem>> -> memref<8192xf32, #tpu.memory_space<vmem>>
      %dma_wait3A_140 = tpu.memref_slice %arg3[%add3A_21] : memref<1000000xf32, #tpu.memory_space<hbm>> -> memref<8192xf32, #tpu.memory_space<hbm>>
      tpu.wait_dma2 semaphore(%run_scoped3A : memref<!tpu.dma_semaphore, #tpu.memory_space<semaphore_mem>>) src(%dma_wait3A_140 : memref<8192xf32, #tpu.memory_space<hbm>>) dst(%dma_wait3A_139 : memref<8192xf32, #tpu.memory_space<vmem>>)
      tpu.yield
    }) : () -> ()
    "tpu.region"() ({
      %run_scoped3A = tpu.sem_alloc : memref<!tpu.dma_semaphore, #tpu.memory_space<semaphore_mem>>
      %dma_start3A_129 = arith.constant 0 : i32
      %dma_start3A_130 = tpu.memref_slice %arg7[%dma_start3A_129] : memref<12800xf32, #tpu.memory_space<vmem>> -> memref<8192xf32, #tpu.memory_space<vmem>>
      %dma_start3A_131 = tpu.memref_slice %arg9[%add3A_21] : memref<1000000xf32, #tpu.memory_space<vmem_shared>> -> memref<8192xf32, #tpu.memory_space<vmem_shared>>
      %dma_start3A_132 = tpu.memref_slice %arg9[%add3A_21] : memref<1000000xf32, #tpu.memory_space<vmem_shared>> -> memref<8192xf32, #tpu.memory_space<vmem_shared>>
      %dma_start3A_133 = arith.constant 0 : i32
      %dma_start3A_134 = tpu.memref_slice %arg7[%dma_start3A_133] : memref<12800xf32, #tpu.memory_space<vmem>> -> memref<8192xf32, #tpu.memory_space<vmem>>
      tpu.enqueue_dma source(%dma_start3A_134 : memref<8192xf32, #tpu.memory_space<vmem>>) target(%dma_start3A_132 : memref<8192xf32, #tpu.memory_space<vmem_shared>>) target_semaphore(%run_scoped3A : memref<!tpu.dma_semaphore, #tpu.memory_space<semaphore_mem>>)
      %dma_wait3A_135 = arith.constant 0 : i32
      %dma_wait3A_136 = tpu.memref_slice %arg7[%dma_wait3A_135] : memref<12800xf32, #tpu.memory_space<vmem>> -> memref<8192xf32, #tpu.memory_space<vmem>>
      %dma_wait3A_137 = tpu.memref_slice %arg9[%add3A_21] : memref<1000000xf32, #tpu.memory_space<vmem_shared>> -> memref<8192xf32, #tpu.memory_space<vmem_shared>>
      %dma_wait3A_138 = tpu.memref_slice %arg9[%add3A_21] : memref<1000000xf32, #tpu.memory_space<vmem_shared>> -> memref<8192xf32, #tpu.memory_space<vmem_shared>>
      %dma_wait3A_139 = arith.constant 0 : i32
      %dma_wait3A_140 = tpu.memref_slice %arg7[%dma_wait3A_139] : memref<12800xf32, #tpu.memory_space<vmem>> -> memref<8192xf32, #tpu.memory_space<vmem>>
      tpu.wait_dma2 semaphore(%run_scoped3A : memref<!tpu.dma_semaphore, #tpu.memory_space<semaphore_mem>>) src(%dma_wait3A_140 : memref<8192xf32, #tpu.memory_space<vmem>>) dst(%dma_wait3A_138 : memref<8192xf32, #tpu.memory_space<vmem_shared>>)
      tpu.yield
    }) : () -> ()
    %barrier3A = arith.constant 0 : index
    tpu.barrier barrier_id(%barrier3A)
    %dma_start3A = tpu.memref_slice %arg2[%mul3A_2] : memref<1638400xi32, #tpu.memory_space<hbm>> -> memref<12800xi32, #tpu.memory_space<hbm>>
    %dma_start3A_22 = tpu.memref_slice %arg2[%mul3A_2] : memref<1638400xi32, #tpu.memory_space<hbm>> -> memref<12800xi32, #tpu.memory_space<hbm>>
    tpu.enqueue_dma source(%dma_start3A_22 : memref<12800xi32, #tpu.memory_space<hbm>>) target(%arg5 : memref<12800xi32, #tpu.memory_space<vmem>>) target_semaphore(%arg11 : memref<!tpu.dma_semaphore, #tpu.memory_space<semaphore_mem>>)
    %dma_wait3A = arith.constant 0 : i32
    %dma_wait3A_23 = tpu.memref_slice %arg2[%dma_wait3A] : memref<1638400xi32, #tpu.memory_space<hbm>> -> memref<12800xi32, #tpu.memory_space<hbm>>
    %dma_wait3A_24 = arith.constant 0 : i32
    %dma_wait3A_25 = tpu.memref_slice %arg2[%dma_wait3A_24] : memref<1638400xi32, #tpu.memory_space<hbm>> -> memref<12800xi32, #tpu.memory_space<hbm>>
    tpu.wait_dma2 semaphore(%arg11 : memref<!tpu.dma_semaphore, #tpu.memory_space<semaphore_mem>>) src(%dma_wait3A_25 : memref<12800xi32, #tpu.memory_space<hbm>>) dst(%arg5 : memref<12800xi32, #tpu.memory_space<vmem>>)
    %add3A_26 = arith.constant 12800 : i32
    %add3A_27 = arith.addi %mul3A_2, %add3A_26 : i32
    %dma_start3A_28 = tpu.memref_slice %arg2[%add3A_27] : memref<1638400xi32, #tpu.memory_space<hbm>> -> memref<12800xi32, #tpu.memory_space<hbm>>
    %dma_start3A_29 = tpu.memref_slice %arg2[%add3A_27] : memref<1638400xi32, #tpu.memory_space<hbm>> -> memref<12800xi32, #tpu.memory_space<hbm>>
    tpu.enqueue_dma source(%dma_start3A_29 : memref<12800xi32, #tpu.memory_space<hbm>>) target(%arg6 : memref<12800xi32, #tpu.memory_space<vmem>>) target_semaphore(%arg11 : memref<!tpu.dma_semaphore, #tpu.memory_space<semaphore_mem>>)
    %scan3A = arith.constant 0 : i32
    %scan3A_30 = arith.constant 0 : i32
    %scan3A_31 = arith.constant 100 : i32
    %scan3A_32 = arith.addi %scan3A_30, %scan3A_31 : i32
    %scan3A_33 = arith.constant 1 : i32
    scf.for %scan3A_129 = %scan3A_30 to %scan3A_32 step %scan3A_33  : i32 {
      %mul3A_130 = arith.constant 128 : i32
      %mul3A_131 = arith.muli %scan3A_129, %mul3A_130 : i32
      %mul3A_132 = arith.constant 128 : i32
      %mul3A_133 = arith.muli %scan3A_129, %mul3A_132 : i32
      %dma_start3A_134 = tpu.memref_slice %arg7[%mul3A_133] : memref<12800xf32, #tpu.memory_space<vmem>> -> memref<128xf32, #tpu.memory_space<vmem>>
      %dma_start3A_135 = tpu.memref_slice %arg5[%mul3A_131] : memref<12800xi32, #tpu.memory_space<vmem>> -> memref<128xi32, #tpu.memory_space<vmem>>
      %dma_start3A_136 = arith.constant 0 : i32
      %dma_start3A_137 = tpu.memref_slice %arg9[%dma_start3A_136] : memref<1000000xf32, #tpu.memory_space<vmem_shared>> -> memref<1000000xf32, #tpu.memory_space<vmem_shared>>
      tpu.enqueue_indirect_dma source(%dma_start3A_137 : memref<1000000xf32, #tpu.memory_space<vmem_shared>>) target(%dma_start3A_134 : memref<128xf32, #tpu.memory_space<vmem>>) offsets(%dma_start3A_135 : memref<128xi32, #tpu.memory_space<vmem>>) semaphore(%arg10 : memref<!tpu.dma_semaphore, #tpu.memory_space<semaphore_mem>>)
    }
    %scan3A_34 = arith.constant 100 : i32
    %scan3A_35 = arith.constant 0 : i32
    %scan3A_36 = arith.constant 0 : i32
    %scan3A_37 = arith.constant 100 : i32
    %scan3A_38 = arith.addi %scan3A_36, %scan3A_37 : i32
    %scan3A_39 = arith.constant 1 : i32
    scf.for %scan3A_129 = %scan3A_36 to %scan3A_38 step %scan3A_39  : i32 {
      %dma_wait3A_130 = arith.constant 0 : i32
      %dma_wait3A_131 = tpu.memref_slice %arg7[%dma_wait3A_130] : memref<12800xf32, #tpu.memory_space<vmem>> -> memref<128xf32, #tpu.memory_space<vmem>>
      %dma_wait3A_132 = arith.constant 0 : i32
      %dma_wait3A_133 = tpu.memref_slice %arg5[%dma_wait3A_132] : memref<12800xi32, #tpu.memory_space<vmem>> -> memref<128xi32, #tpu.memory_space<vmem>>
      %dma_wait3A_134 = arith.constant 0 : i32
      %dma_wait3A_135 = tpu.memref_slice %arg9[%dma_wait3A_134] : memref<1000000xf32, #tpu.memory_space<vmem_shared>> -> memref<1000000xf32, #tpu.memory_space<vmem_shared>>
      tpu.wait_indirect_dma semaphore(%arg10 : memref<!tpu.dma_semaphore, #tpu.memory_space<semaphore_mem>>) src(%dma_wait3A_135 : memref<1000000xf32, #tpu.memory_space<vmem_shared>>) dst(%dma_wait3A_131 : memref<128xf32, #tpu.memory_space<vmem>>)
    }
    %scan3A_40 = arith.constant 100 : i32
    %add3A_41 = arith.constant 0 : i32
    %add3A_42 = arith.addi %mul3A_2, %add3A_41 : i32
    %dma_start3A_43 = tpu.memref_slice %arg4[%add3A_42] : memref<1638400xf32, #tpu.memory_space<hbm>> -> memref<12800xf32, #tpu.memory_space<hbm>>
    %dma_start3A_44 = tpu.memref_slice %arg4[%add3A_42] : memref<1638400xf32, #tpu.memory_space<hbm>> -> memref<12800xf32, #tpu.memory_space<hbm>>
    tpu.enqueue_dma source(%arg7 : memref<12800xf32, #tpu.memory_space<vmem>>) target(%dma_start3A_44 : memref<12800xf32, #tpu.memory_space<hbm>>) target_semaphore(%arg12 : memref<!tpu.dma_semaphore, #tpu.memory_space<semaphore_mem>>)
    %dma_wait3A_45 = arith.constant 0 : i32
    %dma_wait3A_46 = tpu.memref_slice %arg2[%dma_wait3A_45] : memref<1638400xi32, #tpu.memory_space<hbm>> -> memref<12800xi32, #tpu.memory_space<hbm>>
    %dma_wait3A_47 = arith.constant 0 : i32
    %dma_wait3A_48 = tpu.memref_slice %arg2[%dma_wait3A_47] : memref<1638400xi32, #tpu.memory_space<hbm>> -> memref<12800xi32, #tpu.memory_space<hbm>>
    tpu.wait_dma2 semaphore(%arg11 : memref<!tpu.dma_semaphore, #tpu.memory_space<semaphore_mem>>) src(%dma_wait3A_48 : memref<12800xi32, #tpu.memory_space<hbm>>) dst(%arg6 : memref<12800xi32, #tpu.memory_space<vmem>>)
    %add3A_49 = arith.constant 25600 : i32
    %add3A_50 = arith.addi %mul3A_2, %add3A_49 : i32
    %dma_start3A_51 = tpu.memref_slice %arg2[%add3A_50] : memref<1638400xi32, #tpu.memory_space<hbm>> -> memref<12800xi32, #tpu.memory_space<hbm>>
    %dma_start3A_52 = tpu.memref_slice %arg2[%add3A_50] : memref<1638400xi32, #tpu.memory_space<hbm>> -> memref<12800xi32, #tpu.memory_space<hbm>>
    tpu.enqueue_dma source(%dma_start3A_52 : memref<12800xi32, #tpu.memory_space<hbm>>) target(%arg5 : memref<12800xi32, #tpu.memory_space<vmem>>) target_semaphore(%arg11 : memref<!tpu.dma_semaphore, #tpu.memory_space<semaphore_mem>>)
    %scan3A_53 = arith.constant 0 : i32
    %scan3A_54 = arith.constant 0 : i32
    %scan3A_55 = arith.constant 100 : i32
    %scan3A_56 = arith.addi %scan3A_54, %scan3A_55 : i32
    %scan3A_57 = arith.constant 1 : i32
    scf.for %scan3A_129 = %scan3A_54 to %scan3A_56 step %scan3A_57  : i32 {
      %mul3A_130 = arith.constant 128 : i32
      %mul3A_131 = arith.muli %scan3A_129, %mul3A_130 : i32
      %mul3A_132 = arith.constant 128 : i32
      %mul3A_133 = arith.muli %scan3A_129, %mul3A_132 : i32
      %dma_start3A_134 = tpu.memref_slice %arg8[%mul3A_133] : memref<12800xf32, #tpu.memory_space<vmem>> -> memref<128xf32, #tpu.memory_space<vmem>>
      %dma_start3A_135 = tpu.memref_slice %arg6[%mul3A_131] : memref<12800xi32, #tpu.memory_space<vmem>> -> memref<128xi32, #tpu.memory_space<vmem>>
      %dma_start3A_136 = arith.constant 0 : i32
      %dma_start3A_137 = tpu.memref_slice %arg9[%dma_start3A_136] : memref<1000000xf32, #tpu.memory_space<vmem_shared>> -> memref<1000000xf32, #tpu.memory_space<vmem_shared>>
      tpu.enqueue_indirect_dma source(%dma_start3A_137 : memref<1000000xf32, #tpu.memory_space<vmem_shared>>) target(%dma_start3A_134 : memref<128xf32, #tpu.memory_space<vmem>>) offsets(%dma_start3A_135 : memref<128xi32, #tpu.memory_space<vmem>>) semaphore(%arg10 : memref<!tpu.dma_semaphore, #tpu.memory_space<semaphore_mem>>)
    }
    %scan3A_58 = arith.constant 100 : i32
    %scan3A_59 = arith.constant 0 : i32
    %scan3A_60 = arith.constant 0 : i32
    %scan3A_61 = arith.constant 100 : i32
    %scan3A_62 = arith.addi %scan3A_60, %scan3A_61 : i32
    %scan3A_63 = arith.constant 1 : i32
    scf.for %scan3A_129 = %scan3A_60 to %scan3A_62 step %scan3A_63  : i32 {
      %dma_wait3A_130 = arith.constant 0 : i32
      %dma_wait3A_131 = tpu.memref_slice %arg8[%dma_wait3A_130] : memref<12800xf32, #tpu.memory_space<vmem>> -> memref<128xf32, #tpu.memory_space<vmem>>
      %dma_wait3A_132 = arith.constant 0 : i32
      %dma_wait3A_133 = tpu.memref_slice %arg6[%dma_wait3A_132] : memref<12800xi32, #tpu.memory_space<vmem>> -> memref<128xi32, #tpu.memory_space<vmem>>
      %dma_wait3A_134 = arith.constant 0 : i32
      %dma_wait3A_135 = tpu.memref_slice %arg9[%dma_wait3A_134] : memref<1000000xf32, #tpu.memory_space<vmem_shared>> -> memref<1000000xf32, #tpu.memory_space<vmem_shared>>
      tpu.wait_indirect_dma semaphore(%arg10 : memref<!tpu.dma_semaphore, #tpu.memory_space<semaphore_mem>>) src(%dma_wait3A_135 : memref<1000000xf32, #tpu.memory_space<vmem_shared>>) dst(%dma_wait3A_131 : memref<128xf32, #tpu.memory_space<vmem>>)
    }
    %scan3A_64 = arith.constant 100 : i32
    %add3A_65 = arith.constant 12800 : i32
    %add3A_66 = arith.addi %mul3A_2, %add3A_65 : i32
    %dma_start3A_67 = tpu.memref_slice %arg4[%add3A_66] : memref<1638400xf32, #tpu.memory_space<hbm>> -> memref<12800xf32, #tpu.memory_space<hbm>>
    %dma_start3A_68 = tpu.memref_slice %arg4[%add3A_66] : memref<1638400xf32, #tpu.memory_space<hbm>> -> memref<12800xf32, #tpu.memory_space<hbm>>
    tpu.enqueue_dma source(%arg8 : memref<12800xf32, #tpu.memory_space<vmem>>) target(%dma_start3A_68 : memref<12800xf32, #tpu.memory_space<hbm>>) target_semaphore(%arg12 : memref<!tpu.dma_semaphore, #tpu.memory_space<semaphore_mem>>)
    %dma_wait3A_69 = arith.constant 0 : i32
    %dma_wait3A_70 = tpu.memref_slice %arg2[%dma_wait3A_69] : memref<1638400xi32, #tpu.memory_space<hbm>> -> memref<12800xi32, #tpu.memory_space<hbm>>
    %dma_wait3A_71 = arith.constant 0 : i32
    %dma_wait3A_72 = tpu.memref_slice %arg2[%dma_wait3A_71] : memref<1638400xi32, #tpu.memory_space<hbm>> -> memref<12800xi32, #tpu.memory_space<hbm>>
    tpu.wait_dma2 semaphore(%arg11 : memref<!tpu.dma_semaphore, #tpu.memory_space<semaphore_mem>>) src(%dma_wait3A_72 : memref<12800xi32, #tpu.memory_space<hbm>>) dst(%arg5 : memref<12800xi32, #tpu.memory_space<vmem>>)
    %add3A_73 = arith.constant 38400 : i32
    %add3A_74 = arith.addi %mul3A_2, %add3A_73 : i32
    %dma_start3A_75 = tpu.memref_slice %arg2[%add3A_74] : memref<1638400xi32, #tpu.memory_space<hbm>> -> memref<12800xi32, #tpu.memory_space<hbm>>
    %dma_start3A_76 = tpu.memref_slice %arg2[%add3A_74] : memref<1638400xi32, #tpu.memory_space<hbm>> -> memref<12800xi32, #tpu.memory_space<hbm>>
    tpu.enqueue_dma source(%dma_start3A_76 : memref<12800xi32, #tpu.memory_space<hbm>>) target(%arg6 : memref<12800xi32, #tpu.memory_space<vmem>>) target_semaphore(%arg11 : memref<!tpu.dma_semaphore, #tpu.memory_space<semaphore_mem>>)
    %dma_wait3A_77 = arith.constant 0 : i32
    %dma_wait3A_78 = tpu.memref_slice %arg4[%dma_wait3A_77] : memref<1638400xf32, #tpu.memory_space<hbm>> -> memref<12800xf32, #tpu.memory_space<hbm>>
    %dma_wait3A_79 = arith.constant 0 : i32
    %dma_wait3A_80 = tpu.memref_slice %arg4[%dma_wait3A_79] : memref<1638400xf32, #tpu.memory_space<hbm>> -> memref<12800xf32, #tpu.memory_space<hbm>>
    tpu.wait_dma2 semaphore(%arg12 : memref<!tpu.dma_semaphore, #tpu.memory_space<semaphore_mem>>) src(%arg7 : memref<12800xf32, #tpu.memory_space<vmem>>) dst(%dma_wait3A_80 : memref<12800xf32, #tpu.memory_space<hbm>>)
    %scan3A_81 = arith.constant 0 : i32
    %scan3A_82 = arith.constant 0 : i32
    %scan3A_83 = arith.constant 100 : i32
    %scan3A_84 = arith.addi %scan3A_82, %scan3A_83 : i32
    %scan3A_85 = arith.constant 1 : i32
    scf.for %scan3A_129 = %scan3A_82 to %scan3A_84 step %scan3A_85  : i32 {
      %mul3A_130 = arith.constant 128 : i32
      %mul3A_131 = arith.muli %scan3A_129, %mul3A_130 : i32
      %mul3A_132 = arith.constant 128 : i32
      %mul3A_133 = arith.muli %scan3A_129, %mul3A_132 : i32
      %dma_start3A_134 = tpu.memref_slice %arg7[%mul3A_133] : memref<12800xf32, #tpu.memory_space<vmem>> -> memref<128xf32, #tpu.memory_space<vmem>>
      %dma_start3A_135 = tpu.memref_slice %arg5[%mul3A_131] : memref<12800xi32, #tpu.memory_space<vmem>> -> memref<128xi32, #tpu.memory_space<vmem>>
      %dma_start3A_136 = arith.constant 0 : i32
      %dma_start3A_137 = tpu.memref_slice %arg9[%dma_start3A_136] : memref<1000000xf32, #tpu.memory_space<vmem_shared>> -> memref<1000000xf32, #tpu.memory_space<vmem_shared>>
      tpu.enqueue_indirect_dma source(%dma_start3A_137 : memref<1000000xf32, #tpu.memory_space<vmem_shared>>) target(%dma_start3A_134 : memref<128xf32, #tpu.memory_space<vmem>>) offsets(%dma_start3A_135 : memref<128xi32, #tpu.memory_space<vmem>>) semaphore(%arg10 : memref<!tpu.dma_semaphore, #tpu.memory_space<semaphore_mem>>)
    }
    %scan3A_86 = arith.constant 100 : i32
    %scan3A_87 = arith.constant 0 : i32
    %scan3A_88 = arith.constant 0 : i32
    %scan3A_89 = arith.constant 100 : i32
    %scan3A_90 = arith.addi %scan3A_88, %scan3A_89 : i32
    %scan3A_91 = arith.constant 1 : i32
    scf.for %scan3A_129 = %scan3A_88 to %scan3A_90 step %scan3A_91  : i32 {
      %dma_wait3A_130 = arith.constant 0 : i32
      %dma_wait3A_131 = tpu.memref_slice %arg7[%dma_wait3A_130] : memref<12800xf32, #tpu.memory_space<vmem>> -> memref<128xf32, #tpu.memory_space<vmem>>
      %dma_wait3A_132 = arith.constant 0 : i32
      %dma_wait3A_133 = tpu.memref_slice %arg5[%dma_wait3A_132] : memref<12800xi32, #tpu.memory_space<vmem>> -> memref<128xi32, #tpu.memory_space<vmem>>
      %dma_wait3A_134 = arith.constant 0 : i32
      %dma_wait3A_135 = tpu.memref_slice %arg9[%dma_wait3A_134] : memref<1000000xf32, #tpu.memory_space<vmem_shared>> -> memref<1000000xf32, #tpu.memory_space<vmem_shared>>
      tpu.wait_indirect_dma semaphore(%arg10 : memref<!tpu.dma_semaphore, #tpu.memory_space<semaphore_mem>>) src(%dma_wait3A_135 : memref<1000000xf32, #tpu.memory_space<vmem_shared>>) dst(%dma_wait3A_131 : memref<128xf32, #tpu.memory_space<vmem>>)
    }
    %scan3A_92 = arith.constant 100 : i32
    %add3A_93 = arith.constant 25600 : i32
    %add3A_94 = arith.addi %mul3A_2, %add3A_93 : i32
    %dma_start3A_95 = tpu.memref_slice %arg4[%add3A_94] : memref<1638400xf32, #tpu.memory_space<hbm>> -> memref<12800xf32, #tpu.memory_space<hbm>>
    %dma_start3A_96 = tpu.memref_slice %arg4[%add3A_94] : memref<1638400xf32, #tpu.memory_space<hbm>> -> memref<12800xf32, #tpu.memory_space<hbm>>
    tpu.enqueue_dma source(%arg7 : memref<12800xf32, #tpu.memory_space<vmem>>) target(%dma_start3A_96 : memref<12800xf32, #tpu.memory_space<hbm>>) target_semaphore(%arg12 : memref<!tpu.dma_semaphore, #tpu.memory_space<semaphore_mem>>)
    %dma_wait3A_97 = arith.constant 0 : i32
    %dma_wait3A_98 = tpu.memref_slice %arg2[%dma_wait3A_97] : memref<1638400xi32, #tpu.memory_space<hbm>> -> memref<12800xi32, #tpu.memory_space<hbm>>
    %dma_wait3A_99 = arith.constant 0 : i32
    %dma_wait3A_100 = tpu.memref_slice %arg2[%dma_wait3A_99] : memref<1638400xi32, #tpu.memory_space<hbm>> -> memref<12800xi32, #tpu.memory_space<hbm>>
    tpu.wait_dma2 semaphore(%arg11 : memref<!tpu.dma_semaphore, #tpu.memory_space<semaphore_mem>>) src(%dma_wait3A_100 : memref<12800xi32, #tpu.memory_space<hbm>>) dst(%arg6 : memref<12800xi32, #tpu.memory_space<vmem>>)
    %dma_wait3A_101 = arith.constant 0 : i32
    %dma_wait3A_102 = tpu.memref_slice %arg4[%dma_wait3A_101] : memref<1638400xf32, #tpu.memory_space<hbm>> -> memref<12800xf32, #tpu.memory_space<hbm>>
    %dma_wait3A_103 = arith.constant 0 : i32
    %dma_wait3A_104 = tpu.memref_slice %arg4[%dma_wait3A_103] : memref<1638400xf32, #tpu.memory_space<hbm>> -> memref<12800xf32, #tpu.memory_space<hbm>>
    tpu.wait_dma2 semaphore(%arg12 : memref<!tpu.dma_semaphore, #tpu.memory_space<semaphore_mem>>) src(%arg8 : memref<12800xf32, #tpu.memory_space<vmem>>) dst(%dma_wait3A_104 : memref<12800xf32, #tpu.memory_space<hbm>>)
    %scan3A_105 = arith.constant 0 : i32
    %scan3A_106 = arith.constant 0 : i32
    %scan3A_107 = arith.constant 100 : i32
    %scan3A_108 = arith.addi %scan3A_106, %scan3A_107 : i32
    %scan3A_109 = arith.constant 1 : i32
    scf.for %scan3A_129 = %scan3A_106 to %scan3A_108 step %scan3A_109  : i32 {
      %mul3A_130 = arith.constant 128 : i32
      %mul3A_131 = arith.muli %scan3A_129, %mul3A_130 : i32
      %mul3A_132 = arith.constant 128 : i32
      %mul3A_133 = arith.muli %scan3A_129, %mul3A_132 : i32
      %dma_start3A_134 = tpu.memref_slice %arg8[%mul3A_133] : memref<12800xf32, #tpu.memory_space<vmem>> -> memref<128xf32, #tpu.memory_space<vmem>>
      %dma_start3A_135 = tpu.memref_slice %arg6[%mul3A_131] : memref<12800xi32, #tpu.memory_space<vmem>> -> memref<128xi32, #tpu.memory_space<vmem>>
      %dma_start3A_136 = arith.constant 0 : i32
      %dma_start3A_137 = tpu.memref_slice %arg9[%dma_start3A_136] : memref<1000000xf32, #tpu.memory_space<vmem_shared>> -> memref<1000000xf32, #tpu.memory_space<vmem_shared>>
      tpu.enqueue_indirect_dma source(%dma_start3A_137 : memref<1000000xf32, #tpu.memory_space<vmem_shared>>) target(%dma_start3A_134 : memref<128xf32, #tpu.memory_space<vmem>>) offsets(%dma_start3A_135 : memref<128xi32, #tpu.memory_space<vmem>>) semaphore(%arg10 : memref<!tpu.dma_semaphore, #tpu.memory_space<semaphore_mem>>)
    }
    %scan3A_110 = arith.constant 100 : i32
    %scan3A_111 = arith.constant 0 : i32
    %scan3A_112 = arith.constant 0 : i32
    %scan3A_113 = arith.constant 100 : i32
    %scan3A_114 = arith.addi %scan3A_112, %scan3A_113 : i32
    %scan3A_115 = arith.constant 1 : i32
    scf.for %scan3A_129 = %scan3A_112 to %scan3A_114 step %scan3A_115  : i32 {
      %dma_wait3A_130 = arith.constant 0 : i32
      %dma_wait3A_131 = tpu.memref_slice %arg8[%dma_wait3A_130] : memref<12800xf32, #tpu.memory_space<vmem>> -> memref<128xf32, #tpu.memory_space<vmem>>
      %dma_wait3A_132 = arith.constant 0 : i32
      %dma_wait3A_133 = tpu.memref_slice %arg6[%dma_wait3A_132] : memref<12800xi32, #tpu.memory_space<vmem>> -> memref<128xi32, #tpu.memory_space<vmem>>
      %dma_wait3A_134 = arith.constant 0 : i32
      %dma_wait3A_135 = tpu.memref_slice %arg9[%dma_wait3A_134] : memref<1000000xf32, #tpu.memory_space<vmem_shared>> -> memref<1000000xf32, #tpu.memory_space<vmem_shared>>
      tpu.wait_indirect_dma semaphore(%arg10 : memref<!tpu.dma_semaphore, #tpu.memory_space<semaphore_mem>>) src(%dma_wait3A_135 : memref<1000000xf32, #tpu.memory_space<vmem_shared>>) dst(%dma_wait3A_131 : memref<128xf32, #tpu.memory_space<vmem>>)
    }
    %scan3A_116 = arith.constant 100 : i32
    %add3A_117 = arith.constant 38400 : i32
    %add3A_118 = arith.addi %mul3A_2, %add3A_117 : i32
    %dma_start3A_119 = tpu.memref_slice %arg4[%add3A_118] : memref<1638400xf32, #tpu.memory_space<hbm>> -> memref<12800xf32, #tpu.memory_space<hbm>>
    %dma_start3A_120 = tpu.memref_slice %arg4[%add3A_118] : memref<1638400xf32, #tpu.memory_space<hbm>> -> memref<12800xf32, #tpu.memory_space<hbm>>
    tpu.enqueue_dma source(%arg8 : memref<12800xf32, #tpu.memory_space<vmem>>) target(%dma_start3A_120 : memref<12800xf32, #tpu.memory_space<hbm>>) target_semaphore(%arg12 : memref<!tpu.dma_semaphore, #tpu.memory_space<semaphore_mem>>)
    %dma_wait3A_121 = arith.constant 0 : i32
    %dma_wait3A_122 = tpu.memref_slice %arg4[%dma_wait3A_121] : memref<1638400xf32, #tpu.memory_space<hbm>> -> memref<12800xf32, #tpu.memory_space<hbm>>
    %dma_wait3A_123 = arith.constant 0 : i32
    %dma_wait3A_124 = tpu.memref_slice %arg4[%dma_wait3A_123] : memref<1638400xf32, #tpu.memory_space<hbm>> -> memref<12800xf32, #tpu.memory_space<hbm>>
    tpu.wait_dma2 semaphore(%arg12 : memref<!tpu.dma_semaphore, #tpu.memory_space<semaphore_mem>>) src(%arg7 : memref<12800xf32, #tpu.memory_space<vmem>>) dst(%dma_wait3A_124 : memref<12800xf32, #tpu.memory_space<hbm>>)
    %dma_wait3A_125 = arith.constant 0 : i32
    %dma_wait3A_126 = tpu.memref_slice %arg4[%dma_wait3A_125] : memref<1638400xf32, #tpu.memory_space<hbm>> -> memref<12800xf32, #tpu.memory_space<hbm>>
    %dma_wait3A_127 = arith.constant 0 : i32
    %dma_wait3A_128 = tpu.memref_slice %arg4[%dma_wait3A_127] : memref<1638400xf32, #tpu.memory_space<hbm>> -> memref<12800xf32, #tpu.memory_space<hbm>>
    tpu.wait_dma2 semaphore(%arg12 : memref<!tpu.dma_semaphore, #tpu.memory_space<semaphore_mem>>) src(%arg8 : memref<12800xf32, #tpu.memory_space<vmem>>) dst(%dma_wait3A_128 : memref<12800xf32, #tpu.memory_space<hbm>>)
    return
  }
}

</mosaic_0001>

<sc_bundles>
// kernel: kernel.3.cloned.1.call-start
scs
__scs_entry_jumppad:
0x0: {  	(pc) =	sbr.rel $0x88, $3  }
0x1: {  	(tag) =	ssettag $0x0;
	lr =	simm.s32 $0x1  }
0x2: {  	[smem:$0x3F9F] =	sst lr;
	_ =	strace $0xD0000000  }
0x3: {  	_ = 	snop  }
0x4: {  	_ = 	snop  }
0x5: {  	_ = 	snop  }
0x6: {  	_ = 	snop  }
0x7: {  	_ = 	snop  }
__scs_overlays_trampoline_lowered:
0x8: {  	[smem:$0x3FAE] =	sst s0  }
0x9: {  	[smem:$0x3FAF] =	sst s1  }
0xa: {  	[smem:$0x3FB0] =	sst s2  }
0xb: {  	[smem:$0x3FB1] =	sst s3  }
0xc: {  	[smem:$0x3FB2] =	sst s4  }
0xd: {  	[smem:$0x3FB3] =	sst s5  }
0xe: {  	[smem:$0x3FB4] =	sst s6  }
0xf: {  	[smem:$0x3FB5] =	sst s7  }
0x10: {  	[smem:$0x3FB6] =	sst s8  }
0x11: {  	[smem:$0x3FB7] =	sst s9;
	s0 =	simm.s32 @!p0 $0x0  }
0x12: {  	s1 =	sld [smem:$0x3F9D];
	s0 =	simm.s32 @p0 $0x1  }
0x13: {  	[smem:$0x3FB8] =	sst s0;
	s0 =	simm.s32 @!p1 $0x0  }
0x14: {  	s2 =	sld [smem:$0x3F9C];
	s0 =	simm.s32 @p1 $0x1  }
0x15: {  	[smem:$0x3FB9] =	sst s0;
	s0 =	simm.s32 @!p2 $0x0  }
0x16: {  	s3 =	sld [smem:$0x3FDB];
	s0 =	simm.s32 @p2 $0x1  }
0x17: {  	s4 =	simm.s32 $0x1BF5;
	[smem:$0x3FBB] =	sst s0  }
0x18: {  	s0 =	sld [smem:$0x3F9E];
	_ =	swait.ge [sflag:s4], $0x0  }
0x19: {  	s7 =	sld [smem:$0x3F9F]  }
0x1a: {  	s8 =	sadd.s32 $0xFFFFE003, lr  }
0x1b: {  	s9 =	sadd.s32 $0xFFFFFEF7, lr;
	s5 =	simm.s32 $0xFFFFFFFF;
	p2 =	slt.u32 s8, $0xFFFFF086  }
0x1c: {  	p1 =	slt.u32 s9, $0xF7A;
	s5 =	simm.s32 @!p2 $0x0  }
0x1d: {  	s5 =	simm.s32 @p1 $0x1;
	p0 =	seq.s32 s7, s2  }
0x1e: {  	s7 =	smul.u32 @!p0 $0xF7A, s2;
	p2 =	seq.s32 @!p0 s5, $0x0  }
0x1f: {  	s9 =	smul.u32 $0xF7A, s1;
	s8 =	simm.s32 @!p0 $0x1BF5;
	p2 =	por !p2, p0  }
0x20: {  	[sflag:s8] =	ssyncset.s32 @!p0 $0xFFFFF086;
	s6 =	sadd.s32 @!p0 s3, s7;
	s7 =	simm.s32 @!p0 $0x108  }
0x21: {  	s3 =	sadd.s32 s3, s9;
	s6 =	sadd.s32 @!p0 $0x88, s6;
	s7 =	simm.s32 @p2 $0x1082  }
0x22: {  	[simem:s7], [sflag:s8] =	dma.local @!p0 [hbm:s6], $0xF7A  }
0x23: {  	s9 =	sor.u32 $0xD0000000, s2;
	s6 =	simm.s32 $0x108;
	_ =	swait.ge @!p0 [sflag:s8], $0x0  }
0x24: {  	s3 =	sadd.s32 $0x88, s3;
	s6 =	simm.s32 @!p1 $0x1082;
	[sflag:s4] =	ssyncset.s32 $0xFFFFF086  }
0x25: {  	[simem:s6], [sflag:s4] =	dma.local [hbm:s3], $0xF7A  }
0x26: {  	[smem:$0x3F9F] =	sst s1;
	(tag) =	ssettag s2;
	_ =	strace s9  }
0x27: {  	s1 =	sld [smem:$0x3FAF]  }
0x28: {  	s2 =	sld [smem:$0x3FB0]  }
0x29: {  	s4 =	sld [smem:$0x3FB2]  }
0x2a: {  	p0 =	seq.s32 s5, $0x0;
	s5 =	sld [smem:$0x3FB3]  }
0x2b: {  	s6 =	sld [smem:$0x3FB4]  }
0x2c: {  	s7 =	sld [smem:$0x3FB5]  }
0x2d: {  	s3 =	simm.s32 $0x108;
	s8 =	sld [smem:$0x3FB6]  }
0x2e: {  	s3 =	simm.s32 @!p0 $0x1082;
	s9 =	sld [smem:$0x3FB7]  }
0x2f: {  	lr =	sadd.s32 s0, s3;
	s0 =	sld [smem:$0x3FAE]  }
0x30: {  	s3 =	sld [smem:$0x3FB1]  }
0x31: {  	[smem:$0x3FBA] =	sst s10  }
0x32: {  	s10 =	sld [smem:$0x3FB8];
	_ =	sdelay $0x3  }
0x33: {  	p0 =	seq.s32 s10, $0x1;
	s10 =	sld [smem:$0x3FBA];
	_ =	sdelay $0x3  }
0x34: {  	[smem:$0x3FBA] =	sst s10  }
0x35: {  	s10 =	sld [smem:$0x3FB9];
	_ =	sdelay $0x3  }
0x36: {  	p1 =	seq.s32 s10, $0x1;
	s10 =	sld [smem:$0x3FBA];
	_ =	sdelay $0x3  }
0x37: {  	[smem:$0x3FBA] =	sst s10  }
0x38: {  	s10 =	sld [smem:$0x3FBB]  }
0x39: {  	_ = 	snop;
	(pc) =	sbr.ind lr, $3  }
0x3a: {  	_ = 	snop  }
0x3b: {  	_ = 	snop  }
0x3c: {  	p2 =	seq.s32 s10, $0x1;
	s10 =	sld [smem:$0x3FBA]  }
0x3d: {  	_ =	shalt  }
0x3e: {  	_ =	shalt  }
0x3f: {  	_ =	shalt  }
0x40: {  	_ =	shalt  }
0x41: {  	_ =	shalt  }
0x42: {  	_ =	shalt  }
0x43: {  	_ =	shalt  }
0x44: {  	_ =	shalt  }
0x45: {  	_ =	shalt  }
0x46: {  	_ =	shalt  }
0x47: {  	_ =	shalt  }
0x48: {  	_ =	shalt  }
0x49: {  	_ =	shalt  }
0x4a: {  	_ =	shalt  }
0x4b: {  	_ =	shalt  }
0x4c: {  	_ =	shalt  }
0x4d: {  	_ =	shalt  }
0x4e: {  	_ =	shalt  }
0x4f: {  	_ =	shalt  }
0x50: {  	_ =	shalt  }
0x51: {  	_ =	shalt  }
0x52: {  	_ =	shalt  }
0x53: {  	_ =	shalt  }
0x54: {  	_ =	shalt  }
0x55: {  	_ =	shalt  }
0x56: {  	_ =	shalt  }
0x57: {  	_ =	shalt  }
0x58: {  	_ =	shalt  }
0x59: {  	_ =	shalt  }
0x5a: {  	_ =	shalt  }
0x5b: {  	_ =	shalt  }
0x5c: {  	_ =	shalt  }
0x5d: {  	_ =	shalt  }
0x5e: {  	_ =	shalt  }
0x5f: {  	_ =	shalt  }
0x60: {  	_ =	shalt  }
0x61: {  	_ =	shalt  }
0x62: {  	_ =	shalt  }
0x63: {  	_ =	shalt  }
0x64: {  	_ =	shalt  }
0x65: {  	_ =	shalt  }
0x66: {  	_ =	shalt  }
0x67: {  	_ =	shalt  }
0x68: {  	_ =	shalt  }
0x69: {  	_ =	shalt  }
0x6a: {  	_ =	shalt  }
0x6b: {  	_ =	shalt  }
0x6c: {  	_ =	shalt  }
0x6d: {  	_ =	shalt  }
0x6e: {  	_ =	shalt  }
0x6f: {  	_ =	shalt  }
0x70: {  	_ =	shalt  }
0x71: {  	_ =	shalt  }
0x72: {  	_ =	shalt  }
0x73: {  	_ =	shalt  }
0x74: {  	_ =	shalt  }
0x75: {  	_ =	shalt  }
0x76: {  	_ =	shalt  }
0x77: {  	_ =	shalt  }
0x78: {  	_ =	shalt  }
0x79: {  	_ =	shalt  }
0x7a: {  	_ =	shalt  }
0x7b: {  	_ =	shalt  }
0x7c: {  	_ =	shalt  }
0x7d: {  	_ =	shalt  }
0x7e: {  	_ =	shalt  }
0x7f: {  	_ =	shalt  }
0x80: {  	_ =	shalt  }
0x81: {  	_ =	shalt  }
0x82: {  	_ =	shalt  }
0x83: {  	_ =	shalt  }
0x84: {  	_ =	shalt  }
0x85: {  	_ =	shalt  }
0x86: {  	_ =	shalt  }
0x87: {  	_ =	shalt  }
.Lfunc_end0:
.L_simem_size_0:
called_computation_lowered:
.L_overlay_start_0:
0x88: {  	s2 =	sld [smem:$0x3FD9]  }
0x89: {  	s3 =	sld [smem:$0x3FFE];
	_ =	sdelay $0x1  }
0x8a: {  	s1 =	srdreg.scid  }
0x8b: {  	s0 =	sand.u32 $0x1, s1  }
0x8c: {  	s17 =	sshll.u32 s0, $0xA;
	s2 =	sadd.s32 s3, s2  }
0x8d: {  	s2 =	sadd.s32 s2, s17  }
0x8e: {  	[smem:$0x3FC6] =	sst s2  }
0x8f: {  	_ = 	snop  }
0x90: {  	s2 =	sld [smem:$0x3FD0];
	(tm) =	ssettm $0x1  }
0x91: {  	s18 =	sld [smem:$0x3FFB];
	_ =	sdelay $0x3  }
0x92: {  	_ =	strace s18  }
0x93: {  	s3 =	sld [smem:$0x3FFC];
	_ =	sdelay $0x3  }
0x94: {  	_ =	strace s3  }
0x95: {  	s3 =	sld [smem:$0x3FFD];
	_ =	sdelay $0x3  }
0x96: {  	_ =	strace s3  }
0x97: {  	_ =	strace $0x8FFFFFFF  }
0x98: {  	s19 =	sld [smem:$0x3FDB];
	_ =	sdelay $0x1  }
0x99: {  	s4 =	simm.s32 $_scs_section_size  }
0x9a: {  	s5 =	simm.s32 $_size__tile_overlayer_lowered;
	s6 =	simm.s32 $_tile_overlayer_lowered  }
0x9b: {  	s22 =	simm.s32 $0x1BFF;
	s21 =	sshll.u32 s6, $0x1;
	s3 =	sadd.s32 s4, s19  }
0x9c: {  	s7 =	simm.s32 $0x0;
	s20 =	sshll.u32 s5, $0x1;
	s5 =	sadd.s32 s21, s3  }
0x9d: {  	[timem:s7], [sflag:s22] =	dma.local [hbm:s5], s20  }
0x9e: {  	_ =	swait.ge [sflag:s22], s20  }
0x9f: {  	s4 =	ssub.s32 $0x0, s20;
	[sflag:s22] =	ssyncset.done $0x0  }
0xa0: {  	[sflag:s22] =	ssyncadd.s32 s4;
	_ =	sdelay $0x1  }
0xa1: {  	s23 =	simm.s32 $0x1B8B  }
0xa2: {  	_ =	swait.ge [sflag:s23], $0x1  }
0xa3: {  	[sflag:s23] =	ssyncset.done $0x0  }
0xa4: {  	s25 =	simm.s32 $0x1B8E;
	s24 =	sld [smem:$0x3FFE];
	[sflag:s23] =	ssyncadd.s32 $0xFFFFFFFF  }
0xa5: {  	s26 =	simm.s32 $execute0_lowered;
	[smem:$0x3FD2] =	sst s25  }
0xa6: {  	s5 =	sshll.u32 s26, $0x1;
	_ =	strace $0x80000046;
	[dreg:$0x1] =	wrdreg $0xFFFFFFFF  }
0xa7: {  	s28 =	simm.s32 $_size_execute0_lowered;
	s3 =	sadd.s32 s3, s5;
	[dreg:$0x0] =	wrdreg $0x0  }
0xa8: {  	s5 =	sshll.u32 s28, $0x1;
	[dreg:$0x2] =	wrdreg s3  }
0xa9: {  	[dreg:$0x3] =	wrdreg s5  }
0xaa: {  	[dreg:$0x4] =	wrdreg $0xC0  }
0xab: {  	_ =	task [dreg:s7], $0x5FFFF  }
0xac: {  	[dreg:$0x1] =	wrdreg $0xFFFFFFFF  }
0xad: {  	[dreg:$0x0] =	wrdreg $0x60  }
0xae: {  	[dreg:$0x2] =	wrdreg s2  }
0xaf: {  	[dreg:$0x3] =	wrdreg s24  }
0xb0: {  	[dreg:$0x4] =	wrdreg $0xC8000  }
0xb1: {  	[dreg:$0x5] =	wrdreg $0x9  }
0xb2: {  	_ =	task.clear_ibuf [dreg:s7], $0x6FFFF;
	_ =	strace $0x90000046  }
0xb3: {  	s29 =	simm.s32 $0x9;
	_ =	strace $0x80000048  }
0xb4: {  	_ =	swait.ge [sflag:s29], $0x1  }
0xb5: {  	[sflag:s29] =	ssyncadd.s32 $0xFFFFFFFF  }
0xb6: {  	_ =	strace $0x90000048  }
0xb7: {  	_ =	sfence  }
0xb8: {  	s30 =	sld [smem:$0x0];
	_ =	sdelay $0x2  }
0xb9: {  	s31 =	sshll.u32 s1, $0xD;
	s1 =	sshrl.u32 s1, $0x2  }
0xba: {  	s3 =	sand.u32 $0x4000, s31;
	s1 =	sadd.s32 s1, s30  }
0xbb: {  	s0 =	sor.u32 s3, s0;
	s1 =	sshll.u32 s1, $0x11  }
0xbc: {  	s0 =	sor.u32 s1, s0  }
0xbd: {  	s0 =	sadd.s32 $0x8F2B, s0  }
0xbe: {  	[sflag:s0] =	ssyncadd.remote.s32 $0x1  }
0xbf: {  	_ =	sfence.sel $0xFFFF  }
0xc0: {  	[dreg:$0x0] =	wrdreg $0xFFFFFFFF;
	(pc) =	sbr.abs _section_cstart, $3  }
0xc1: {  	[dreg:$0x1] =	wrdreg $0xFFFFFFFF  }
0xc2: {  	_ =	task.clear_ibuf [dreg:s7], $0x2FFFF;
	_ =	strace $0x9FFFFFFF  }
0xc3: {  	(tm) =	ssettm $0x7FFFFFFF  }
tec
execute0_lowered:
.L_overlay_start_1:
0x0: {  	(tag) =	ssettag $0x1  }
0x1: {  	s1 =	rddreg [dreg:$0x0]  }
0x2: {  	s2 =	srdreg.scid;
	s3 =	rddreg [dreg:$0x1]  }
0x3: {  	s0 =	simm.s32 $0x0;
	s8 =	stileid.u32;
	s30 =	simm.s32 $0x6400  }
0x4: {  	s31 =	simm.s32 $0x4;
	s2 =	sand.u32 $0x1, s2;
	[smem:$0x7FF] =	sst s0  }
0x5: {  	s4 =	sadd.s32 $0x400, s3;
	s3 =	sadd.s32 $0x1EE00, s3;
	s7 =	sshll.u32 s8, $0x1  }
0x6: {  	p0 =	seq.s32 s8, $0xF;
	s13 =	sshll.u32 s8, $0x10;
	s5 =	ssub.s32 $0x2, s2  }
0x7: {  	s2 =	sor.u32 s2, s7;
	s13 =	simm.s32 @p0 $0xE4240;
	s6 =	sshrl.u32 s5, $0x1  }
0x8: {  	s2 =	smul.u32 $0xC800, s2;
	s8 =	sshrl.u32 s13, $0x3;
	s9 =	sor.u32 $0x2000, s13  }
0x9: {  	s22 =	sadd.s32 $0x4000, s13;
	s23 =	sadd.s32 $0x6000, s13;
	s24 =	sor.u32 $0x8000, s13  }
0xa: {  	s25 =	sor.u32 $0xA000, s13;
	s26 =	sadd.s32 $0xC000, s13;
	s28 =	sadd.s32 $0xE000, s13  }
0xb: {  	s5 =	ssub.s32 s5, s6;
	s6 =	sadd.s32 s4, s8;
	s12 =	sshrl.u32 s9, $0x3  }
0xc: {  	s14 =	sshrl.u32 s22, $0x3;
	s15 =	sshrl.u32 s23, $0x3;
	s16 =	sshrl.u32 s24, $0x3  }
0xd: {  	s17 =	sshrl.u32 s25, $0x3;
	s18 =	sshrl.u32 s26, $0x3;
	s19 =	sshrl.u32 s28, $0x3  }
0xe: {  	[dreg:$0x4] =	wrdreg s6;
	s6 =	sadd.s32 s4, s12;
	s2 =	sshrl.u32 s2, $0x3  }
0xf: {  	s29 =	smax.u32 s5, $0x1;
	s5 =	simm.s32 $0x3;
	[dreg:$0x5] =	wrdreg s6  }
0x10: {  	s6 =	sadd.s32 s4, s14;
	s10 =	sadd.s32 s1, s2;
	s20 =	sadd.s32 $0x640, s2  }
0x11: {  	s12 =	sadd.s32 s3, s2;
	s21 =	sadd.s32 $0xC80, s2;
	[dreg:$0x6] =	wrdreg s6  }
0x12: {  	s2 =	sadd.s32 $0x12C0, s2;
	s6 =	sadd.s32 s4, s15;
	s15 =	rddreg [dreg:$0x2]  }
0x13: {  	s11 =	sadd.s32 s1, s20;
	s14 =	sadd.s32 s3, s20;
	[dreg:$0x7] =	wrdreg s6  }
0x14: {  	s6 =	sadd.s32 s4, s16;
	s16 =	sadd.s32 s1, s21;
	s20 =	sadd.s32 s13, s15  }
0x15: {  	s22 =	sadd.s32 s22, s15;
	s23 =	sadd.s32 s23, s15;
	s24 =	sadd.s32 s24, s15  }
0x16: {  	s25 =	sadd.s32 s25, s15;
	s26 =	sadd.s32 s26, s15;
	s28 =	sadd.s32 s28, s15  }
0x17: {  	s13 =	simm.s32 $0x2;
	[dreg:$0x8] =	wrdreg s6;
	s6 =	sadd.s32 s4, s17  }
0x18: {  	s17 =	sadd.s32 s1, s2;
	s1 =	simm.s32 $0x3200;
	[dreg:$0x9] =	wrdreg s6  }
0x19: {  	s6 =	sadd.s32 s4, s18;
	s4 =	sadd.s32 s4, s19;
	s18 =	sadd.s32 s3, s21  }
0x1a: {  	s19 =	sadd.s32 s3, s2;
	s21 =	sadd.s32 s9, s15;
	[dreg:$0xa] =	wrdreg s6  }
0x1b: {  	s2 =	simm.s32 $0x80;
	s3 =	simm.s32 $0x1;
	[dreg:$0xb] =	wrdreg s4  }
0x1c: {  	s4 =	simm.s32 $0x9600;
	s6 =	simm.s32 $0x0;
	_ =	strace $0x80000047  }
.LBB2_1:
0x1d: {  	s7 =	rddreg [dreg:$0x4]  }
0x1e: {  	[tilespmem:s30], [sflag:$0x4] =	stream.linear.gather [hbm4b:s7+s0], $0x2000, $0x38;
	[tilespmem:$0x1BC28] =	vst v63  }
0x1f: {  	_ =	swait.ge [sflag:s31], $0x2000  }
0x20: {  	[sflag:s31] =	ssyncset.done $0x0  }
0x21: {  	[sflag:s31] =	ssyncadd.s32 $0xFFFFE000  }
0x22: {  	[spmem:s20] =	stream.linear.scatter [tilespmem:s30], [sflag:$0x4], $0x2000, $0x38;
	[tilespmem:$0x1BC28] =	vst v63  }
0x23: {  	_ =	swait.ge [sflag:s31], $0x2000  }
0x24: {  	[sflag:s31] =	ssyncset.done $0x0  }
0x25: {  	s9 =	rddreg [dreg:$0x5];
	[sflag:s31] =	ssyncadd.s32 $0xFFFFE000  }
0x26: {  	[tilespmem:s30], [sflag:$0x4] =	stream.linear.gather [hbm4b:s9+s0], $0x2000, $0x38;
	[tilespmem:$0x1BC28] =	vst v63  }
0x27: {  	_ =	swait.ge [sflag:s31], $0x2000  }
0x28: {  	[sflag:s31] =	ssyncset.done $0x0  }
0x29: {  	[sflag:s31] =	ssyncadd.s32 $0xFFFFE000  }
0x2a: {  	[spmem:s21] =	stream.linear.scatter [tilespmem:s30], [sflag:$0x4], $0x2000, $0x38;
	[tilespmem:$0x1BC28] =	vst v63  }
0x2b: {  	_ =	swait.ge [sflag:s31], $0x2000  }
0x2c: {  	[sflag:s31] =	ssyncset.done $0x0  }
0x2d: {  	s8 =	rddreg [dreg:$0x6];
	[sflag:s31] =	ssyncadd.s32 $0xFFFFE000  }
0x2e: {  	[tilespmem:s30], [sflag:$0x4] =	stream.linear.gather [hbm4b:s8+s0], $0x2000, $0x38;
	[tilespmem:$0x1BC28] =	vst v63  }
0x2f: {  	_ =	swait.ge [sflag:s31], $0x2000  }
0x30: {  	[sflag:s31] =	ssyncset.done $0x0  }
0x31: {  	[sflag:s31] =	ssyncadd.s32 $0xFFFFE000  }
0x32: {  	[spmem:s22] =	stream.linear.scatter [tilespmem:s30], [sflag:$0x4], $0x2000, $0x38;
	[tilespmem:$0x1BC28] =	vst v63  }
0x33: {  	_ =	swait.ge [sflag:s31], $0x2000  }
0x34: {  	[sflag:s31] =	ssyncset.done $0x0  }
0x35: {  	s9 =	rddreg [dreg:$0x7];
	[sflag:s31] =	ssyncadd.s32 $0xFFFFE000  }
0x36: {  	[tilespmem:s30], [sflag:$0x4] =	stream.linear.gather [hbm4b:s9+s0], $0x2000, $0x38;
	[tilespmem:$0x1BC28] =	vst v63  }
0x37: {  	_ =	swait.ge [sflag:s31], $0x2000  }
0x38: {  	[sflag:s31] =	ssyncset.done $0x0  }
0x39: {  	[sflag:s31] =	ssyncadd.s32 $0xFFFFE000  }
0x3a: {  	[spmem:s23] =	stream.linear.scatter [tilespmem:s30], [sflag:$0x4], $0x2000, $0x38;
	[tilespmem:$0x1BC28] =	vst v63  }
0x3b: {  	_ =	swait.ge [sflag:s31], $0x2000  }
0x3c: {  	[sflag:s31] =	ssyncset.done $0x0  }
0x3d: {  	s8 =	rddreg [dreg:$0x8];
	[sflag:s31] =	ssyncadd.s32 $0xFFFFE000  }
0x3e: {  	[tilespmem:s30], [sflag:$0x4] =	stream.linear.gather [hbm4b:s8+s0], $0x2000, $0x38;
	[tilespmem:$0x1BC28] =	vst v63  }
0x3f: {  	_ =	swait.ge [sflag:s31], $0x2000  }
0x40: {  	[sflag:s31] =	ssyncset.done $0x0  }
0x41: {  	[sflag:s31] =	ssyncadd.s32 $0xFFFFE000  }
0x42: {  	[spmem:s24] =	stream.linear.scatter [tilespmem:s30], [sflag:$0x4], $0x2000, $0x38;
	[tilespmem:$0x1BC28] =	vst v63  }
0x43: {  	_ =	swait.ge [sflag:s31], $0x2000  }
0x44: {  	[sflag:s31] =	ssyncset.done $0x0  }
0x45: {  	s9 =	rddreg [dreg:$0x9];
	[sflag:s31] =	ssyncadd.s32 $0xFFFFE000  }
0x46: {  	[tilespmem:s30], [sflag:$0x4] =	stream.linear.gather [hbm4b:s9+s0], $0x2000, $0x38;
	[tilespmem:$0x1BC28] =	vst v63  }
0x47: {  	_ =	swait.ge [sflag:s31], $0x2000  }
0x48: {  	[sflag:s31] =	ssyncset.done $0x0  }
0x49: {  	[sflag:s31] =	ssyncadd.s32 $0xFFFFE000  }
0x4a: {  	[spmem:s25] =	stream.linear.scatter [tilespmem:s30], [sflag:$0x4], $0x2000, $0x38;
	[tilespmem:$0x1BC28] =	vst v63  }
0x4b: {  	_ =	swait.ge [sflag:s31], $0x2000  }
0x4c: {  	[sflag:s31] =	ssyncset.done $0x0  }
0x4d: {  	s8 =	rddreg [dreg:$0xa];
	[sflag:s31] =	ssyncadd.s32 $0xFFFFE000  }
0x4e: {  	[tilespmem:s30], [sflag:$0x4] =	stream.linear.gather [hbm4b:s8+s0], $0x2000, $0x38;
	[tilespmem:$0x1BC28] =	vst v63  }
0x4f: {  	_ =	swait.ge [sflag:s31], $0x2000  }
0x50: {  	[sflag:s31] =	ssyncset.done $0x0  }
0x51: {  	[sflag:s31] =	ssyncadd.s32 $0xFFFFE000  }
0x52: {  	[spmem:s26] =	stream.linear.scatter [tilespmem:s30], [sflag:$0x4], $0x2000, $0x38;
	[tilespmem:$0x1BC28] =	vst v63  }
0x53: {  	_ =	swait.ge [sflag:s31], $0x2000  }
0x54: {  	[sflag:s31] =	ssyncset.done $0x0  }
0x55: {  	s9 =	rddreg [dreg:$0xb];
	[sflag:s31] =	ssyncadd.s32 $0xFFFFE000  }
0x56: {  	[tilespmem:s30], [sflag:$0x4] =	stream.linear.gather [hbm4b:s9+s0], $0x2000, $0x38;
	[tilespmem:$0x1BC28] =	vst v63  }
0x57: {  	_ =	swait.ge [sflag:s31], $0x2000  }
0x58: {  	[sflag:s31] =	ssyncset.done $0x0  }
0x59: {  	[sflag:s31] =	ssyncadd.s32 $0xFFFFE000  }
0x5a: {  	[spmem:s28] =	stream.linear.scatter [tilespmem:s30], [sflag:$0x4], $0x2000, $0x38;
	[tilespmem:$0x1BC28] =	vst v63  }
0x5b: {  	_ =	swait.ge [sflag:s31], $0x2000  }
0x5c: {  	[sflag:s31] =	ssyncset.done $0x0  }
0x5d: {  	[sflag:s31] =	ssyncadd.s32 $0xFFFFE000  }
0x5e: {  	[bflag:$0x0] =	sbarrier.arrive $0xFFFF  }
0x5f: {  	[tilespmem:s0], [sflag:$0x2] =	stream.linear.gather [hbm4b:s10+s0], $0x3200, $0x38;
	[tilespmem:$0x1BC28] =	vst v63  }
0x60: {  	_ =	swait.ge [sflag:s13], $0x3200  }
0x61: {  	[sflag:s13] =	ssyncset.done $0x0  }
0x62: {  	s7 =	simm.s32 $0x0;
	[sflag:s13] =	ssyncadd.s32 $0xFFFFCE00  }
0x63: {  	[tilespmem:s1], [sflag:$0x2] =	stream.linear.gather [hbm4b:s11+s0], $0x3200, $0x38;
	[tilespmem:$0x1BC28] =	vst v63  }
.LBB2_2:
0x64: {  	p0 =	sne.s32 s7, $0xC600  }
.Ltmp0:
0x65: {  	_ = 	snop;
	(pc) =	sbr.rel @p0 .LBB2_2-.Ltmp0, $4  }
0x66: {  	_ = 	snop  }
0x67: {  	s8 =	sshra.s32 s7, $0x2  }
0x68: {  	s7 =	sadd.s32 $0x200, s7;
	s9 =	sadd.s32 $0x6400, s8  }
0x69: {  	[tilespmem:s9], [sflag:$0x1] =	stream.indirect.gather [spmem:s15], $0x1, s8, s2, $0xb8;
	[tilespmem:$0x1BC28] =	vst v63  }
0x6a: {  	_ =	swait.ge [sflag:s3], $0x80  }
0x6b: {  	s7 =	simm.s32 $0x63;
	[sflag:s3] =	ssyncset.done $0x0  }
.LBB2_4:
0x6c: {  	p0 =	sne.s32 s7, $0x1;
	s7 =	sadd.s32 $0xFFFFFFFF, s7;
	[sflag:s3] =	ssyncadd.s32 $0xFFFFFF80  }
.Ltmp1:
0x6d: {  	(pc) =	sbr.rel @p0 .LBB2_4-.Ltmp1, $3  }
0x6e: {  	_ =	sdelay $0x1  }
0x6f: {  	_ =	swait.ge [sflag:s3], $0x80  }
0x70: {  	[sflag:s3] =	ssyncset.done $0x0  }
0x71: {  	[sflag:s3] =	ssyncadd.s32 $0xFFFFFF80;
	s7 =	simm.s32 $0x0  }
0x72: {  	[hbm4b:s12+s7] =	stream.linear.scatter [tilespmem:s30], [sflag:$0x3], $0x3200, $0x38;
	[tilespmem:$0x1BC28] =	vst v63  }
0x73: {  	_ =	swait.ge [sflag:s13], $0x3200  }
0x74: {  	[sflag:s13] =	ssyncset.done $0x0  }
0x75: {  	[sflag:s13] =	ssyncadd.s32 $0xFFFFCE00  }
0x76: {  	[tilespmem:s7], [sflag:$0x2] =	stream.linear.gather [hbm4b:s16+s7], $0x3200, $0x38;
	[tilespmem:$0x1BC28] =	vst v63  }
.LBB2_6:
0x77: {  	p0 =	sne.s32 s7, $0xC600  }
.Ltmp2:
0x78: {  	_ = 	snop;
	(pc) =	sbr.rel @p0 .LBB2_6-.Ltmp2, $4  }
0x79: {  	_ = 	snop  }
0x7a: {  	s8 =	sshra.s32 s7, $0x2  }
0x7b: {  	s7 =	sadd.s32 $0x200, s7;
	s9 =	sadd.s32 $0x9600, s8;
	s8 =	sadd.s32 $0x3200, s8  }
0x7c: {  	[tilespmem:s9], [sflag:$0x1] =	stream.indirect.gather [spmem:s15], $0x1, s8, s2, $0xb8;
	[tilespmem:$0x1BC28] =	vst v63  }
0x7d: {  	_ =	swait.ge [sflag:s3], $0x80  }
0x7e: {  	s7 =	simm.s32 $0x63;
	[sflag:s3] =	ssyncset.done $0x0  }
.LBB2_8:
0x7f: {  	p0 =	sne.s32 s7, $0x1;
	s7 =	sadd.s32 $0xFFFFFFFF, s7;
	[sflag:s3] =	ssyncadd.s32 $0xFFFFFF80  }
.Ltmp3:
0x80: {  	(pc) =	sbr.rel @p0 .LBB2_8-.Ltmp3, $3  }
0x81: {  	_ =	sdelay $0x1  }
0x82: {  	_ =	swait.ge [sflag:s3], $0x80  }
0x83: {  	[sflag:s3] =	ssyncset.done $0x0  }
0x84: {  	[sflag:s3] =	ssyncadd.s32 $0xFFFFFF80;
	s7 =	simm.s32 $0x0  }
0x85: {  	[hbm4b:s14+s7] =	stream.linear.scatter [tilespmem:s4], [sflag:$0x3], $0x3200, $0x38;
	[tilespmem:$0x1BC28] =	vst v63  }
0x86: {  	_ =	swait.ge [sflag:s13], $0x3200  }
0x87: {  	[sflag:s13] =	ssyncset.done $0x0  }
0x88: {  	[sflag:s13] =	ssyncadd.s32 $0xFFFFCE00  }
0x89: {  	[tilespmem:s1], [sflag:$0x2] =	stream.linear.gather [hbm4b:s17+s7], $0x3200, $0x38;
	[tilespmem:$0x1BC28] =	vst v63  }
0x8a: {  	_ =	swait.ge [sflag:s5], $0x3200  }
0x8b: {  	[sflag:s5] =	ssyncset.done $0x0  }
0x8c: {  	[sflag:s5] =	ssyncadd.s32 $0xFFFFCE00  }
.LBB2_10:
0x8d: {  	p0 =	sne.s32 s7, $0xC600  }
.Ltmp4:
0x8e: {  	_ = 	snop;
	(pc) =	sbr.rel @p0 .LBB2_10-.Ltmp4, $4  }
0x8f: {  	_ = 	snop  }
0x90: {  	s8 =	sshra.s32 s7, $0x2  }
0x91: {  	s7 =	sadd.s32 $0x200, s7;
	s9 =	sadd.s32 $0x6400, s8  }
0x92: {  	[tilespmem:s9], [sflag:$0x1] =	stream.indirect.gather [spmem:s15], $0x1, s8, s2, $0xb8;
	[tilespmem:$0x1BC28] =	vst v63  }
0x93: {  	_ =	swait.ge [sflag:s3], $0x80  }
0x94: {  	s7 =	simm.s32 $0x63;
	[sflag:s3] =	ssyncset.done $0x0  }
.LBB2_12:
0x95: {  	p0 =	sne.s32 s7, $0x1;
	s7 =	sadd.s32 $0xFFFFFFFF, s7;
	[sflag:s3] =	ssyncadd.s32 $0xFFFFFF80  }
.Ltmp5:
0x96: {  	(pc) =	sbr.rel @p0 .LBB2_12-.Ltmp5, $3  }
0x97: {  	_ =	sdelay $0x1  }
0x98: {  	_ =	swait.ge [sflag:s3], $0x80  }
0x99: {  	[sflag:s3] =	ssyncset.done $0x0  }
0x9a: {  	[sflag:s3] =	ssyncadd.s32 $0xFFFFFF80;
	s7 =	simm.s32 $0x0  }
0x9b: {  	[hbm4b:s18+s7] =	stream.linear.scatter [tilespmem:s30], [sflag:$0x3], $0x3200, $0x38;
	[tilespmem:$0x1BC28] =	vst v63  }
0x9c: {  	_ =	swait.ge [sflag:s13], $0x3200  }
0x9d: {  	[sflag:s13] =	ssyncset.done $0x0  }
0x9e: {  	[sflag:s13] =	ssyncadd.s32 $0xFFFFCE00  }
0x9f: {  	_ =	swait.ge [sflag:s5], $0x3200  }
0xa0: {  	[sflag:s5] =	ssyncset.done $0x0  }
0xa1: {  	[sflag:s5] =	ssyncadd.s32 $0xFFFFCE00  }
.LBB2_14:
0xa2: {  	p0 =	sne.s32 s7, $0xC600  }
.Ltmp6:
0xa3: {  	_ = 	snop;
	(pc) =	sbr.rel @p0 .LBB2_14-.Ltmp6, $4  }
0xa4: {  	_ = 	snop  }
0xa5: {  	s8 =	sshra.s32 s7, $0x2  }
0xa6: {  	s7 =	sadd.s32 $0x200, s7;
	s9 =	sadd.s32 $0x9600, s8;
	s8 =	sadd.s32 $0x3200, s8  }
0xa7: {  	[tilespmem:s9], [sflag:$0x1] =	stream.indirect.gather [spmem:s15], $0x1, s8, s2, $0xb8;
	[tilespmem:$0x1BC28] =	vst v63  }
0xa8: {  	_ =	swait.ge [sflag:s3], $0x80  }
0xa9: {  	s7 =	simm.s32 $0x63;
	[sflag:s3] =	ssyncset.done $0x0  }
.LBB2_16:
0xaa: {  	p0 =	sne.s32 s7, $0x1;
	s7 =	sadd.s32 $0xFFFFFFFF, s7;
	[sflag:s3] =	ssyncadd.s32 $0xFFFFFF80  }
.Ltmp7:
0xab: {  	(pc) =	sbr.rel @p0 .LBB2_16-.Ltmp7, $3  }
0xac: {  	_ =	sdelay $0x1  }
0xad: {  	_ =	swait.ge [sflag:s3], $0x80  }
0xae: {  	[sflag:s3] =	ssyncset.done $0x0  }
0xaf: {  	[sflag:s3] =	ssyncadd.s32 $0xFFFFFF80;
	s6 =	sadd.s32 $0x1, s6  }
0xb0: {  	[hbm4b:s19+s0] =	stream.linear.scatter [tilespmem:s4], [sflag:$0x3], $0x3200, $0x38;
	[tilespmem:$0x1BC28] =	vst v63  }
0xb1: {  	p0 =	sne.s32 s6, s29;
	_ =	swait.ge [sflag:s5], $0x3200  }
.Ltmp8:
0xb2: {  	[sflag:s5] =	ssyncset.done $0x0;
	(pc) =	sbr.rel @p0 .LBB2_1-.Ltmp8, $4  }
0xb3: {  	[sflag:s5] =	ssyncadd.s32 $0xFFFFCE00  }
0xb4: {  	_ =	swait.ge [sflag:s5], $0x3200  }
0xb5: {  	[sflag:s5] =	ssyncset.done $0x0  }
0xb6: {  	[sflag:s5] =	ssyncadd.s32 $0xFFFFCE00  }
0xb7: {  	_ =	sfence.sel $0x180000  }
0xb8: {  	[bflag:$0x0] =	sbarrier.arrive $0xFFFF  }
0xb9: {  	_ =	strace $0x90000047  }
0xba: {  	s0 =	stileid.u32;
	[bflag:$0x2] =	sbarrier.arrive $0xFFFF  }
0xbb: {  	p0 =	sne.s32 s0, $0x0;
	s0 =	rddreg [dreg:$0x3]  }
0xbc: {  	s0 =	sadd.s32 @!p0 $0x100000, s0  }
0xbd: {  	[sflag:s0] =	ssyncadd.tile.s32 @!p0 $0x1;
	_ =	shalt  }
.Lfunc_end2:
_tile_overlayer_lowered:
.L_overlay_start_2:
0xbe: {  	(tag) =	ssettag $0x2  }
0xbf: {  	s0 =	rddreg [dreg:$0x0];
	s2 =	stileid.u32  }
0xc0: {  	s1 =	rddreg [dreg:$0x1];
	p0 =	sne.s32 s2, $0x0  }
0xc1: {  	s3 =	rddreg [dreg:$0x2];
	[bflag:$0x3] =	sbarrier.arrive $0xFFFF;
	s2 =	simm.s32 @!p0 $0x1C04  }
0xc2: {  	[timem:s3], [sflag:s2] =	dma.local @!p0 [hbm:s0], s1  }
0xc3: {  	s0 =	simm.s32 @!p0 $0x4  }
0xc4: {  	_ =	swait.ge @!p0 [sflag:s0], s1  }
0xc5: {  	s1 =	ssub.s32 @!p0 $0x0, s1;
	[sflag:s0] =	ssyncset.done @!p0 $0x0  }
0xc6: {  	[sflag:s0] =	ssyncadd.s32 @!p0 s1  }
0xc7: {  	[bflag:$0x3] =	sbarrier.arrive $0xFFFF  }
0xc8: {  	_ =	shalt  }

</sc_bundles>
